<compile_context>
chip_gen: v7x
topology: tpu7x:2x2x1
jax: 0.10.2.dev20260603
libtpu: 0.0.44.dev20260713+nightly
codegen_flags: <defaults>
</compile_context>

<pallas_src>
import functools

import jax
import jax.numpy as jnp
from jax import lax
from jax.experimental import pallas as pl
from jax.experimental.pallas import tpu as pltpu
from jax.experimental.pallas import tpu_sc as plsc

N = 10000
E = 320000
D = 128
H = 128
G = 64

NC = 2
NS = 16
NW = NC * NS
EPW = E // NW
CHUNK = 128
NB = 80
EPWP = NB * CHUNK
NP = 10240
RPT = NP // NS
NFULL = EPW // CHUNK
TAIL = EPW - NFULL * CHUNK

BN = 1000
GRID = N // BN


@functools.cache
def _sc_kernels():
    mesh = plsc.VectorSubcoreMesh(
        core_axis_name="c", subcore_axis_name="s", num_cores=NC, num_subcores=NS
    )

    @functools.partial(
        pl.kernel,
        out_type=jax.ShapeDtypeStruct((NC, NP), jnp.float32),
        mesh=mesh,
        scratch_types=[
            pltpu.VMEM((CHUNK,), jnp.int32),
            pltpu.VMEM((CHUNK,), jnp.float32),
            pltpu.VMEM_SHARED((NP,), jnp.float32),
            pltpu.SemaphoreType.DMA,
        ],
    )
    def deg_fn(dstb, zeros_h, out, dstv, ones_v, acc, sem):
        c = lax.axis_index("c")
        s = lax.axis_index("s")
        wid = c * NS + s
        base = wid * EPWP
        for i in range(CHUNK // 16):
            ones_v[pl.ds(i * 16, 16)] = jnp.ones((16,), jnp.float32)
        pltpu.sync_copy(zeros_h, acc.at[pl.ds(s * RPT, RPT)])
        plsc.subcore_barrier()

        def body(j, carry):
            off = pl.multiple_of(base + j * CHUNK, 8)
            pltpu.sync_copy(dstb.at[pl.ds(off, CHUNK)], dstv)
            pltpu.sync_copy(ones_v, acc.at[dstv], add=True)
            return carry

        lax.fori_loop(0, NB, body, 0)
        plsc.subcore_barrier()
        pltpu.sync_copy(acc.at[pl.ds(s * RPT, RPT)], out.at[c, pl.ds(s * RPT, RPT)])

    @functools.partial(
        pl.kernel,
        out_type=jax.ShapeDtypeStruct((NC, NP, H), jnp.float32),
        mesh=mesh,
        scratch_types=[
            pltpu.VMEM((CHUNK,), jnp.int32),
            pltpu.VMEM((CHUNK,), jnp.int32),
            pltpu.VMEM((TAIL,), jnp.int32),
            pltpu.VMEM((TAIL,), jnp.int32),
            pltpu.VMEM((CHUNK, H), jnp.float32),
            pltpu.VMEM((TAIL, H), jnp.float32),
            pltpu.VMEM_SHARED((NP, H), jnp.float32),
            pltpu.SemaphoreType.DMA,
        ],
    )
    def agg_fn(g, src_h, dst_h, zeros_h, out, idx_s, idx_d, idxt_s, idxt_d,
               rows, rowst, acc, sem):
        c = lax.axis_index("c")
        s = lax.axis_index("s")
        wid = c * NS + s
        pltpu.sync_copy(zeros_h, acc.at[pl.ds(s * RPT, RPT)])
        plsc.subcore_barrier()
        base = wid * EPW

        def body(i, carry):
            off = pl.multiple_of(base + i * CHUNK, 8)
            pltpu.sync_copy(src_h.at[pl.ds(off, CHUNK)], idx_s)
            pltpu.sync_copy(dst_h.at[pl.ds(off, CHUNK)], idx_d)
            pltpu.async_copy(g.at[idx_s], rows, sem).wait()
            pltpu.sync_copy(rows, acc.at[idx_d], add=True)
            return carry

        lax.fori_loop(0, NFULL, body, 0)
        offt = pl.multiple_of(base + NFULL * CHUNK, 8)
        pltpu.sync_copy(src_h.at[pl.ds(offt, TAIL)], idxt_s)
        pltpu.sync_copy(dst_h.at[pl.ds(offt, TAIL)], idxt_d)
        pltpu.async_copy(g.at[idxt_s], rowst, sem).wait()
        pltpu.sync_copy(rowst, acc.at[idxt_d], add=True)
        plsc.subcore_barrier()
        pltpu.sync_copy(acc.at[pl.ds(s * RPT, RPT)], out.at[c, pl.ds(s * RPT, RPT)])

    return deg_fn, agg_fn


def _blocked_edges(e_src, e_dst):
    pad = EPWP - EPW
    src2 = e_src.reshape(NW, EPW)
    dst2 = e_dst.reshape(NW, EPW)
    srcp = jnp.concatenate(
        [src2, jnp.zeros((NW, pad), jnp.int32)], axis=1).reshape(NW * EPWP)
    trash = jnp.broadcast_to(N + jnp.arange(pad, dtype=jnp.int32), (NW, pad))
    dstp = jnp.concatenate([dst2, trash], axis=1).reshape(NW * EPWP)
    return srcp, dstp


def _pre_body(deg_ref, x_ref, w_ref, dinv_ref, g_ref):
    deg = 1.0 + deg_ref[0] + deg_ref[1]
    dinv = lax.rsqrt(deg)
    dinv_ref[...] = dinv
    g_ref[...] = dinv * jnp.dot(
        x_ref[...], w_ref[...], preferred_element_type=jnp.float32
    )


def _pre(deg, x, w):
    return pl.pallas_call(
        _pre_body,
        grid=(GRID,),
        in_specs=[
            pl.BlockSpec((NC, BN, 1), lambda i: (0, i, 0)),
            pl.BlockSpec((BN, D), lambda i: (i, 0)),
            pl.BlockSpec((D, H), lambda i: (0, 0)),
        ],
        out_specs=[
            pl.BlockSpec((BN, 1), lambda i: (i, 0)),
            pl.BlockSpec((BN, H), lambda i: (i, 0)),
        ],
        out_shape=[
            jax.ShapeDtypeStruct((N, 1), jnp.float32),
            jax.ShapeDtypeStruct((N, H), jnp.float32),
        ],
    )(deg, x, w)


def _layer_body(acc_ref, g_ref, dinv_ref, b_ref, w_ref, out_ref):
    t = acc_ref[0] + acc_ref[1] + g_ref[...]
    h = jnp.maximum(dinv_ref[...] * t + b_ref[...], 0.0)
    out_ref[...] = dinv_ref[...] * jnp.dot(
        h, w_ref[...], preferred_element_type=jnp.float32
    )


def _layer(acc, g, dinv, b, w):
    return pl.pallas_call(
        _layer_body,
        grid=(GRID,),
        in_specs=[
            pl.BlockSpec((NC, BN, H), lambda i: (0, i, 0)),
            pl.BlockSpec((BN, H), lambda i: (i, 0)),
            pl.BlockSpec((BN, 1), lambda i: (i, 0)),
            pl.BlockSpec((1, H), lambda i: (0, 0)),
            pl.BlockSpec((H, H), lambda i: (0, 0)),
        ],
        out_specs=pl.BlockSpec((BN, H), lambda i: (i, 0)),
        out_shape=jax.ShapeDtypeStruct((N, H), jnp.float32),
    )(acc, g, dinv, b, w)


def _final_body(acc_ref, g_ref, dinv_ref, b_ref, wl_ref, bl_ref, batch_ref,
                out_ref, psum_ref, csum_ref):
    i = pl.program_id(0)
    t = acc_ref[0] + acc_ref[1] + g_ref[...]
    h = jnp.maximum(dinv_ref[...] * t + b_ref[...], 0.0)
    onehot = (
        batch_ref[...] == lax.broadcasted_iota(jnp.int32, (BN, G), 1)
    ).astype(jnp.float32)
    psum = lax.dot_general(
        onehot, h, dimension_numbers=(((0,), (0,)), ((), ())),
        preferred_element_type=jnp.float32, precision=lax.Precision.HIGHEST)
    csum = jnp.sum(onehot, axis=0, keepdims=True).reshape(G, 1)

    @pl.when(i == 0)
    def _init():
        psum_ref[...] = jnp.zeros_like(psum_ref)
        csum_ref[...] = jnp.zeros_like(csum_ref)

    psum_ref[...] += psum
    csum_ref[...] += csum

    @pl.when(i == GRID - 1)
    def _emit():
        pooled = psum_ref[...] / jnp.maximum(csum_ref[...], 1.0)
        out_ref[...] = jnp.dot(
            pooled, wl_ref[...], preferred_element_type=jnp.float32
        ) + bl_ref[...]


def _final(acc, g, dinv, b, wl_row, bl, batch_row):
    return pl.pallas_call(
        _final_body,
        grid=(GRID,),
        in_specs=[
            pl.BlockSpec((NC, BN, H), lambda i: (0, i, 0)),
            pl.BlockSpec((BN, H), lambda i: (i, 0)),
            pl.BlockSpec((BN, 1), lambda i: (i, 0)),
            pl.BlockSpec((1, H), lambda i: (0, 0)),
            pl.BlockSpec((H, 1), lambda i: (0, 0)),
            pl.BlockSpec((1, 1), lambda i: (0, 0)),
            pl.BlockSpec((BN, 1), lambda i: (i, 0)),
        ],
        out_specs=pl.BlockSpec((G, 1), lambda i: (0, 0)),
        out_shape=jax.ShapeDtypeStruct((G, 1), jnp.float32),
        scratch_shapes=[
            pltpu.VMEM((G, H), jnp.float32),
            pltpu.VMEM((G, 1), jnp.float32),
        ],
    )(acc, g, dinv, b, wl_row, bl, batch_row)


def kernel(x, edge_index, batch, W0, b0, W1, b1, W2, b2, Wl, bl):
    f32 = jnp.float32
    deg_fn, agg_fn = _sc_kernels()
    zeros_deg = jnp.zeros((RPT,), f32)
    zeros_acc = jnp.zeros((RPT, H), f32)

    e_src = edge_index[0]
    e_dst = edge_index[1]
    _, dstp = _blocked_edges(e_src, e_dst)
    deg = deg_fn(dstp, zeros_deg)
    dinv, g1 = _pre(deg.reshape(NC, NP, 1), x, W0)
    acc1 = agg_fn(g1, e_src, e_dst, zeros_acc)
    g2 = _layer(acc1, g1, dinv, b0.reshape(1, H), W1)
    acc2 = agg_fn(g2, e_src, e_dst, zeros_acc)
    g3 = _layer(acc2, g2, dinv, b1.reshape(1, H), W2)
    acc3 = agg_fn(g3, e_src, e_dst, zeros_acc)
    out = _final(
        acc3, g3, dinv, b2.reshape(1, H), Wl, bl.reshape(1, 1),
        batch.reshape(N, 1)
    )
    return out.reshape(G)

# --- scband reference (transcript-rebuilt; emitter-appended) ---
"""Pipeline reference for scband-gcn-11665131176187 (READ-ONLY COPY).

The authoritative reference and input builder live on the scoring server;
editing this copy changes nothing except your own understanding.
"""

import jax, jax.numpy as jnp
import numpy as np

N = 10000
E = 320000
D = 128
H = 128
G = 64


def setup_inputs(seed: int = 0) -> dict:
    key = jax.random.key(seed)
    ks = jax.random.split(key, 12)
    x = jax.random.normal(ks[0], (N, D), dtype=jnp.float32)
    edge_index = jax.random.randint(ks[1], (2, E), 0, N, dtype=jnp.int32)
    batch = jnp.sort(jax.random.randint(ks[2], (N,), 0, G, dtype=jnp.int32))
    s0 = 1.0 / np.sqrt(D)
    s1 = 1.0 / np.sqrt(H)
    W0 = jax.random.uniform(ks[3], (D, H), minval=-s0, maxval=s0, dtype=jnp.float32)
    b0 = jnp.zeros((H,), dtype=jnp.float32)
    W1 = jax.random.uniform(ks[4], (H, H), minval=-s1, maxval=s1, dtype=jnp.float32)
    b1 = jnp.zeros((H,), dtype=jnp.float32)
    W2 = jax.random.uniform(ks[5], (H, H), minval=-s1, maxval=s1, dtype=jnp.float32)
    b2 = jnp.zeros((H,), dtype=jnp.float32)
    Wl = jax.random.uniform(ks[6], (H, 1), minval=-s1, maxval=s1, dtype=jnp.float32)
    bl = jnp.zeros((1,), dtype=jnp.float32)
    return {"x": x, "edge_index": edge_index, "batch": batch,
            "W0": W0, "b0": b0, "W1": W1, "b1": b1, "W2": W2, "b2": b2,
            "Wl": Wl, "bl": bl}


def _gcn_conv(x, edge_index, W, b):
    # GCNConv with added self-loops and symmetric normalization (PyG semantics)
    h = x @ W
    loop = jnp.arange(N, dtype=edge_index.dtype)
    src = jnp.concatenate([edge_index[0], loop])
    dst = jnp.concatenate([edge_index[1], loop])
    deg = jnp.zeros((N,), dtype=h.dtype).at[dst].add(1.0)
    dinv = jnp.where(deg > 0, jax.lax.rsqrt(deg), 0.0)
    norm = dinv[src] * dinv[dst]
    msg = h[src] * norm[:, None]
    out = jnp.zeros_like(h).at[dst].add(msg)
    return out + b


def reference(x, edge_index, batch, W0, b0, W1, b1, W2, b2, Wl, bl):
    h = jax.nn.relu(_gcn_conv(x, edge_index, W0, b0))
    h = jax.nn.relu(_gcn_conv(h, edge_index, W1, b1))
    h = jax.nn.relu(_gcn_conv(h, edge_index, W2, b2))
    # global_mean_pool over batch segment ids
    counts = jax.ops.segment_sum(jnp.ones((N,), dtype=h.dtype), batch, num_segments=G)
    pooled = jax.ops.segment_sum(h, batch, num_segments=G)
    pooled = pooled / jnp.maximum(counts, 1.0)[:, None]
    # dropout is identity in eval mode
    out = pooled @ Wl + bl
    return out.squeeze(-1)

if __name__ == "__main__":
    import jax
    _d = setup_inputs()
    print(jax.jit(kernel)(*tuple(_d.values())))

</pallas_src>

<mosaic_0001>
#map = affine_map<(d0, d1) -> (0, 0)>
#map1 = affine_map<(d0, d1) -> (0)>
#map2 = affine_map<(d0, d1) -> (0, 0, 0)>
module attributes {stable_mosaic.version = 14 : i64} {
  func.func @agg_fn(%arg0: i32, %arg1: i32, %arg2: memref<10000x128xf32, #tpu.memory_space<hbm>>, %arg3: memref<320000xi32, #tpu.memory_space<hbm>>, %arg4: memref<320000xi32, #tpu.memory_space<hbm>>, %arg5: memref<640x128xf32, #tpu.memory_space<hbm>>, %arg6: memref<2x10240x128xf32, #tpu.memory_space<hbm>>, %arg7: memref<128xi32, #tpu.memory_space<vmem>>, %arg8: memref<128xi32, #tpu.memory_space<vmem>>, %arg9: memref<16xi32, #tpu.memory_space<vmem>>, %arg10: memref<16xi32, #tpu.memory_space<vmem>>, %arg11: memref<128x128xf32, #tpu.memory_space<vmem>>, %arg12: memref<16x128xf32, #tpu.memory_space<vmem>>, %arg13: memref<10240x128xf32, #tpu.memory_space<vmem_shared>>, %arg14: memref<!tpu.dma_semaphore, #tpu.memory_space<semaphore_mem>>) attributes {dimension_semantics = [#tpu.dimension_semantics<core_parallel>, #tpu.dimension_semantics<subcore_parallel>], iteration_bounds = array<i64: 2, 16>, scalar_prefetch = 0 : i64, scratch_operands = 8 : i64, tpu.core_type = #tpu.core_type<sc_vector_subcore>, window_params = [{transform_indices = #map}, {transform_indices = #map1}, {transform_indices = #map1}, {transform_indices = #map}, {transform_indices = #map2}]} {
    %mul3A = arith.constant 16 : i32
    %mul3A_0 = arith.muli %arg0, %mul3A : i32
    %add3A = arith.addi %mul3A_0, %arg1 : i32
    %mul3A_1 = arith.constant 640 : i32
    %mul3A_2 = arith.muli %arg1, %mul3A_1 : i32
    "tpu.region"() ({
      %run_scoped3A = tpu.sem_alloc : memref<!tpu.dma_semaphore, #tpu.memory_space<semaphore_mem>>
      %dma_start3A_21 = arith.constant 0 : i32
      %dma_start3A_22 = tpu.memref_slice %arg13[%mul3A_2, %dma_start3A_21] : memref<10240x128xf32, #tpu.memory_space<vmem_shared>> -> memref<640x128xf32, #tpu.memory_space<vmem_shared>>
      tpu.enqueue_dma source(%arg5 : memref<640x128xf32, #tpu.memory_space<hbm>>) target(%dma_start3A_22 : memref<640x128xf32, #tpu.memory_space<vmem_shared>>) target_semaphore(%run_scoped3A : memref<!tpu.dma_semaphore, #tpu.memory_space<semaphore_mem>>)
      %dma_wait3A_23 = arith.constant 0 : i32
      %dma_wait3A_24 = tpu.memref_slice %arg13[%mul3A_2, %dma_wait3A_23] : memref<10240x128xf32, #tpu.memory_space<vmem_shared>> -> memref<640x128xf32, #tpu.memory_space<vmem_shared>>
      tpu.wait_dma2 semaphore(%run_scoped3A : memref<!tpu.dma_semaphore, #tpu.memory_space<semaphore_mem>>) src(%arg5 : memref<640x128xf32, #tpu.memory_space<hbm>>) dst(%dma_wait3A_24 : memref<640x128xf32, #tpu.memory_space<vmem_shared>>)
      tpu.yield
    }) : () -> ()
    %barrier3A = arith.constant 0 : index
    tpu.barrier barrier_id(%barrier3A)
    %mul3A_3 = arith.constant 10000 : i32
    %mul3A_4 = arith.muli %add3A, %mul3A_3 : i32
    %scan3A = arith.constant 0 : i32
    %scan3A_5 = arith.constant 0 : i32
    %scan3A_6 = arith.constant 78 : i32
    %scan3A_7 = arith.addi %scan3A_5, %scan3A_6 : i32
    %scan3A_8 = arith.constant 1 : i32
    scf.for %scan3A_21 = %scan3A_5 to %scan3A_7 step %scan3A_8  : i32 {
      %mul3A_22 = arith.constant 128 : i32
      %mul3A_23 = arith.muli %scan3A_21, %mul3A_22 : i32
      %add3A_24 = arith.addi %mul3A_4, %mul3A_23 : i32
      %multiple_of3A_25 = tpu.assume_multiple %add3A_24, 8 : i32
      "tpu.region"() ({
        %run_scoped3A = tpu.sem_alloc : memref<!tpu.dma_semaphore, #tpu.memory_space<semaphore_mem>>
        %dma_start3A_32 = tpu.memref_slice %arg3[%multiple_of3A_25] : memref<320000xi32, #tpu.memory_space<hbm>> -> memref<128xi32, #tpu.memory_space<hbm>>
        %dma_start3A_33 = tpu.memref_slice %arg3[%multiple_of3A_25] : memref<320000xi32, #tpu.memory_space<hbm>> -> memref<128xi32, #tpu.memory_space<hbm>>
        tpu.enqueue_dma source(%dma_start3A_33 : memref<128xi32, #tpu.memory_space<hbm>>) target(%arg7 : memref<128xi32, #tpu.memory_space<vmem>>) target_semaphore(%run_scoped3A : memref<!tpu.dma_semaphore, #tpu.memory_space<semaphore_mem>>)
        %dma_wait3A_34 = tpu.memref_slice %arg3[%multiple_of3A_25] : memref<320000xi32, #tpu.memory_space<hbm>> -> memref<128xi32, #tpu.memory_space<hbm>>
        %dma_wait3A_35 = tpu.memref_slice %arg3[%multiple_of3A_25] : memref<320000xi32, #tpu.memory_space<hbm>> -> memref<128xi32, #tpu.memory_space<hbm>>
        tpu.wait_dma2 semaphore(%run_scoped3A : memref<!tpu.dma_semaphore, #tpu.memory_space<semaphore_mem>>) src(%dma_wait3A_35 : memref<128xi32, #tpu.memory_space<hbm>>) dst(%arg7 : memref<128xi32, #tpu.memory_space<vmem>>)
        tpu.yield
      }) : () -> ()
      "tpu.region"() ({
        %run_scoped3A = tpu.sem_alloc : memref<!tpu.dma_semaphore, #tpu.memory_space<semaphore_mem>>
        %dma_start3A_32 = tpu.memref_slice %arg4[%multiple_of3A_25] : memref<320000xi32, #tpu.memory_space<hbm>> -> memref<128xi32, #tpu.memory_space<hbm>>
        %dma_start3A_33 = tpu.memref_slice %arg4[%multiple_of3A_25] : memref<320000xi32, #tpu.memory_space<hbm>> -> memref<128xi32, #tpu.memory_space<hbm>>
        tpu.enqueue_dma source(%dma_start3A_33 : memref<128xi32, #tpu.memory_space<hbm>>) target(%arg8 : memref<128xi32, #tpu.memory_space<vmem>>) target_semaphore(%run_scoped3A : memref<!tpu.dma_semaphore, #tpu.memory_space<semaphore_mem>>)
        %dma_wait3A_34 = tpu.memref_slice %arg4[%multiple_of3A_25] : memref<320000xi32, #tpu.memory_space<hbm>> -> memref<128xi32, #tpu.memory_space<hbm>>
        %dma_wait3A_35 = tpu.memref_slice %arg4[%multiple_of3A_25] : memref<320000xi32, #tpu.memory_space<hbm>> -> memref<128xi32, #tpu.memory_space<hbm>>
        tpu.wait_dma2 semaphore(%run_scoped3A : memref<!tpu.dma_semaphore, #tpu.memory_space<semaphore_mem>>) src(%dma_wait3A_35 : memref<128xi32, #tpu.memory_space<hbm>>) dst(%arg8 : memref<128xi32, #tpu.memory_space<vmem>>)
        tpu.yield
      }) : () -> ()
      %dma_start3A_26 = arith.constant 0 : i32
      %dma_start3A_27 = arith.constant 0 : i32
      %dma_start3A_28 = tpu.memref_slice %arg2[%dma_start3A_26, %dma_start3A_27] : memref<10000x128xf32, #tpu.memory_space<hbm>> -> memref<10000x128xf32, #tpu.memory_space<hbm>>
      tpu.enqueue_indirect_dma source(%dma_start3A_28 : memref<10000x128xf32, #tpu.memory_space<hbm>>) target(%arg11 : memref<128x128xf32, #tpu.memory_space<vmem>>) offsets(%arg7 : memref<128xi32, #tpu.memory_space<vmem>>) semaphore(%arg14 : memref<!tpu.dma_semaphore, #tpu.memory_space<semaphore_mem>>)
      %dma_wait3A_29 = arith.constant 0 : i32
      %dma_wait3A_30 = arith.constant 0 : i32
      %dma_wait3A_31 = tpu.memref_slice %arg2[%dma_wait3A_29, %dma_wait3A_30] : memref<10000x128xf32, #tpu.memory_space<hbm>> -> memref<10000x128xf32, #tpu.memory_space<hbm>>
      tpu.wait_indirect_dma semaphore(%arg14 : memref<!tpu.dma_semaphore, #tpu.memory_space<semaphore_mem>>) src(%dma_wait3A_31 : memref<10000x128xf32, #tpu.memory_space<hbm>>) dst(%arg11 : memref<128x128xf32, #tpu.memory_space<vmem>>)
      "tpu.region"() ({
        %run_scoped3A = tpu.sem_alloc : memref<!tpu.dma_semaphore, #tpu.memory_space<semaphore_mem>>
        %dma_start3A_32 = arith.constant 0 : i32
        %dma_start3A_33 = arith.constant 0 : i32
        %dma_start3A_34 = tpu.memref_slice %arg13[%dma_start3A_32, %dma_start3A_33] : memref<10240x128xf32, #tpu.memory_space<vmem_shared>> -> memref<10240x128xf32, #tpu.memory_space<vmem_shared>>
        tpu.enqueue_indirect_dma source(%arg11 : memref<128x128xf32, #tpu.memory_space<vmem>>) target(%dma_start3A_34 : memref<10240x128xf32, #tpu.memory_space<vmem_shared>>) offsets(%arg8 : memref<128xi32, #tpu.memory_space<vmem>>) semaphore(%run_scoped3A : memref<!tpu.dma_semaphore, #tpu.memory_space<semaphore_mem>>) {add = true}
        %dma_wait3A_35 = arith.constant 0 : i32
        %dma_wait3A_36 = arith.constant 0 : i32
        %dma_wait3A_37 = tpu.memref_slice %arg13[%dma_wait3A_35, %dma_wait3A_36] : memref<10240x128xf32, #tpu.memory_space<vmem_shared>> -> memref<10240x128xf32, #tpu.memory_space<vmem_shared>>
        tpu.wait_indirect_dma semaphore(%run_scoped3A : memref<!tpu.dma_semaphore, #tpu.memory_space<semaphore_mem>>) src(%arg11 : memref<128x128xf32, #tpu.memory_space<vmem>>) dst(%dma_wait3A_37 : memref<10240x128xf32, #tpu.memory_space<vmem_shared>>)
        tpu.yield
      }) : () -> ()
    }
    %scan3A_9 = arith.constant 78 : i32
    %add3A_10 = arith.constant 9984 : i32
    %add3A_11 = arith.addi %mul3A_4, %add3A_10 : i32
    %multiple_of3A = tpu.assume_multiple %add3A_11, 8 : i32
    "tpu.region"() ({
      %run_scoped3A = tpu.sem_alloc : memref<!tpu.dma_semaphore, #tpu.memory_space<semaphore_mem>>
      %dma_start3A_21 = tpu.memref_slice %arg3[%multiple_of3A] : memref<320000xi32, #tpu.memory_space<hbm>> -> memref<16xi32, #tpu.memory_space<hbm>>
      %dma_start3A_22 = tpu.memref_slice %arg3[%multiple_of3A] : memref<320000xi32, #tpu.memory_space<hbm>> -> memref<16xi32, #tpu.memory_space<hbm>>
      tpu.enqueue_dma source(%dma_start3A_22 : memref<16xi32, #tpu.memory_space<hbm>>) target(%arg9 : memref<16xi32, #tpu.memory_space<vmem>>) target_semaphore(%run_scoped3A : memref<!tpu.dma_semaphore, #tpu.memory_space<semaphore_mem>>)
      %dma_wait3A_23 = tpu.memref_slice %arg3[%multiple_of3A] : memref<320000xi32, #tpu.memory_space<hbm>> -> memref<16xi32, #tpu.memory_space<hbm>>
      %dma_wait3A_24 = tpu.memref_slice %arg3[%multiple_of3A] : memref<320000xi32, #tpu.memory_space<hbm>> -> memref<16xi32, #tpu.memory_space<hbm>>
      tpu.wait_dma2 semaphore(%run_scoped3A : memref<!tpu.dma_semaphore, #tpu.memory_space<semaphore_mem>>) src(%dma_wait3A_24 : memref<16xi32, #tpu.memory_space<hbm>>) dst(%arg9 : memref<16xi32, #tpu.memory_space<vmem>>)
      tpu.yield
    }) : () -> ()
    "tpu.region"() ({
      %run_scoped3A = tpu.sem_alloc : memref<!tpu.dma_semaphore, #tpu.memory_space<semaphore_mem>>
      %dma_start3A_21 = tpu.memref_slice %arg4[%multiple_of3A] : memref<320000xi32, #tpu.memory_space<hbm>> -> memref<16xi32, #tpu.memory_space<hbm>>
      %dma_start3A_22 = tpu.memref_slice %arg4[%multiple_of3A] : memref<320000xi32, #tpu.memory_space<hbm>> -> memref<16xi32, #tpu.memory_space<hbm>>
      tpu.enqueue_dma source(%dma_start3A_22 : memref<16xi32, #tpu.memory_space<hbm>>) target(%arg10 : memref<16xi32, #tpu.memory_space<vmem>>) target_semaphore(%run_scoped3A : memref<!tpu.dma_semaphore, #tpu.memory_space<semaphore_mem>>)
      %dma_wait3A_23 = tpu.memref_slice %arg4[%multiple_of3A] : memref<320000xi32, #tpu.memory_space<hbm>> -> memref<16xi32, #tpu.memory_space<hbm>>
      %dma_wait3A_24 = tpu.memref_slice %arg4[%multiple_of3A] : memref<320000xi32, #tpu.memory_space<hbm>> -> memref<16xi32, #tpu.memory_space<hbm>>
      tpu.wait_dma2 semaphore(%run_scoped3A : memref<!tpu.dma_semaphore, #tpu.memory_space<semaphore_mem>>) src(%dma_wait3A_24 : memref<16xi32, #tpu.memory_space<hbm>>) dst(%arg10 : memref<16xi32, #tpu.memory_space<vmem>>)
      tpu.yield
    }) : () -> ()
    %dma_start3A = arith.constant 0 : i32
    %dma_start3A_12 = arith.constant 0 : i32
    %dma_start3A_13 = tpu.memref_slice %arg2[%dma_start3A, %dma_start3A_12] : memref<10000x128xf32, #tpu.memory_space<hbm>> -> memref<10000x128xf32, #tpu.memory_space<hbm>>
    tpu.enqueue_indirect_dma source(%dma_start3A_13 : memref<10000x128xf32, #tpu.memory_space<hbm>>) target(%arg12 : memref<16x128xf32, #tpu.memory_space<vmem>>) offsets(%arg9 : memref<16xi32, #tpu.memory_space<vmem>>) semaphore(%arg14 : memref<!tpu.dma_semaphore, #tpu.memory_space<semaphore_mem>>)
    %dma_wait3A = arith.constant 0 : i32
    %dma_wait3A_14 = arith.constant 0 : i32
    %dma_wait3A_15 = tpu.memref_slice %arg2[%dma_wait3A, %dma_wait3A_14] : memref<10000x128xf32, #tpu.memory_space<hbm>> -> memref<10000x128xf32, #tpu.memory_space<hbm>>
    tpu.wait_indirect_dma semaphore(%arg14 : memref<!tpu.dma_semaphore, #tpu.memory_space<semaphore_mem>>) src(%dma_wait3A_15 : memref<10000x128xf32, #tpu.memory_space<hbm>>) dst(%arg12 : memref<16x128xf32, #tpu.memory_space<vmem>>)
    "tpu.region"() ({
      %run_scoped3A = tpu.sem_alloc : memref<!tpu.dma_semaphore, #tpu.memory_space<semaphore_mem>>
      %dma_start3A_21 = arith.constant 0 : i32
      %dma_start3A_22 = arith.constant 0 : i32
      %dma_start3A_23 = tpu.memref_slice %arg13[%dma_start3A_21, %dma_start3A_22] : memref<10240x128xf32, #tpu.memory_space<vmem_shared>> -> memref<10240x128xf32, #tpu.memory_space<vmem_shared>>
      tpu.enqueue_indirect_dma source(%arg12 : memref<16x128xf32, #tpu.memory_space<vmem>>) target(%dma_start3A_23 : memref<10240x128xf32, #tpu.memory_space<vmem_shared>>) offsets(%arg10 : memref<16xi32, #tpu.memory_space<vmem>>) semaphore(%run_scoped3A : memref<!tpu.dma_semaphore, #tpu.memory_space<semaphore_mem>>) {add = true}
      %dma_wait3A_24 = arith.constant 0 : i32
      %dma_wait3A_25 = arith.constant 0 : i32
      %dma_wait3A_26 = tpu.memref_slice %arg13[%dma_wait3A_24, %dma_wait3A_25] : memref<10240x128xf32, #tpu.memory_space<vmem_shared>> -> memref<10240x128xf32, #tpu.memory_space<vmem_shared>>
      tpu.wait_indirect_dma semaphore(%run_scoped3A : memref<!tpu.dma_semaphore, #tpu.memory_space<semaphore_mem>>) src(%arg12 : memref<16x128xf32, #tpu.memory_space<vmem>>) dst(%dma_wait3A_26 : memref<10240x128xf32, #tpu.memory_space<vmem_shared>>)
      tpu.yield
    }) : () -> ()
    %barrier3A_16 = arith.constant 0 : index
    tpu.barrier barrier_id(%barrier3A_16)
    %mul3A_17 = arith.constant 640 : i32
    %mul3A_18 = arith.muli %arg1, %mul3A_17 : i32
    %mul3A_19 = arith.constant 640 : i32
    %mul3A_20 = arith.muli %arg1, %mul3A_19 : i32
    "tpu.region"() ({
      %run_scoped3A = tpu.sem_alloc : memref<!tpu.dma_semaphore, #tpu.memory_space<semaphore_mem>>
      %dma_start3A_21 = arith.constant 0 : i32
      %dma_start3A_22 = tpu.memref_slice %arg6[%arg0, %mul3A_20, %dma_start3A_21] : memref<2x10240x128xf32, #tpu.memory_space<hbm>> -> memref<1x640x128xf32, #tpu.memory_space<hbm>>
      %dma_start3A_23 = tpu.memref_squeeze %dma_start3A_22 : memref<1x640x128xf32, #tpu.memory_space<hbm>> -> memref<640x128xf32, #tpu.memory_space<hbm>>
      %dma_start3A_24 = arith.constant 0 : i32
      %dma_start3A_25 = tpu.memref_slice %arg13[%mul3A_18, %dma_start3A_24] : memref<10240x128xf32, #tpu.memory_space<vmem_shared>> -> memref<640x128xf32, #tpu.memory_space<vmem_shared>>
      tpu.enqueue_dma source(%dma_start3A_25 : memref<640x128xf32, #tpu.memory_space<vmem_shared>>) target(%dma_start3A_23 : memref<640x128xf32, #tpu.memory_space<hbm>>) target_semaphore(%run_scoped3A : memref<!tpu.dma_semaphore, #tpu.memory_space<semaphore_mem>>)
      %dma_wait3A_26 = arith.constant 0 : i32
      %dma_wait3A_27 = tpu.memref_slice %arg6[%arg0, %mul3A_20, %dma_wait3A_26] : memref<2x10240x128xf32, #tpu.memory_space<hbm>> -> memref<1x640x128xf32, #tpu.memory_space<hbm>>
      %dma_wait3A_28 = tpu.memref_squeeze %dma_wait3A_27 : memref<1x640x128xf32, #tpu.memory_space<hbm>> -> memref<640x128xf32, #tpu.memory_space<hbm>>
      %dma_wait3A_29 = arith.constant 0 : i32
      %dma_wait3A_30 = tpu.memref_slice %arg13[%mul3A_18, %dma_wait3A_29] : memref<10240x128xf32, #tpu.memory_space<vmem_shared>> -> memref<640x128xf32, #tpu.memory_space<vmem_shared>>
      tpu.wait_dma2 semaphore(%run_scoped3A : memref<!tpu.dma_semaphore, #tpu.memory_space<semaphore_mem>>) src(%dma_wait3A_30 : memref<640x128xf32, #tpu.memory_space<vmem_shared>>) dst(%dma_wait3A_28 : memref<640x128xf32, #tpu.memory_space<hbm>>)
      tpu.yield
    }) : () -> ()
    return
  }
}

#map = affine_map<(d0, d1) -> (0, 0)>
#map1 = affine_map<(d0, d1) -> (0)>
#map2 = affine_map<(d0, d1) -> (0, 0, 0)>
module attributes {stable_mosaic.version = 14 : i64} {
  func.func @agg_fn(%arg0: i32, %arg1: i32, %arg2: memref<10000x128xf32, #tpu.memory_space<hbm>>, %arg3: memref<320000xi32, #tpu.memory_space<hbm>>, %arg4: memref<320000xi32, #tpu.memory_space<hbm>>, %arg5: memref<640x128xf32, #tpu.memory_space<hbm>>, %arg6: memref<2x10240x128xf32, #tpu.memory_space<hbm>>, %arg7: memref<128xi32, #tpu.memory_space<vmem>>, %arg8: memref<128xi32, #tpu.memory_space<vmem>>, %arg9: memref<16xi32, #tpu.memory_space<vmem>>, %arg10: memref<16xi32, #tpu.memory_space<vmem>>, %arg11: memref<128x128xf32, #tpu.memory_space<vmem>>, %arg12: memref<16x128xf32, #tpu.memory_space<vmem>>, %arg13: memref<10240x128xf32, #tpu.memory_space<vmem_shared>>, %arg14: memref<!tpu.dma_semaphore, #tpu.memory_space<semaphore_mem>>) attributes {dimension_semantics = [#tpu.dimension_semantics<core_parallel>, #tpu.dimension_semantics<subcore_parallel>], iteration_bounds = array<i64: 2, 16>, scalar_prefetch = 0 : i64, scratch_operands = 8 : i64, tpu.core_type = #tpu.core_type<sc_vector_subcore>, window_params = [{transform_indices = #map}, {transform_indices = #map1}, {transform_indices = #map1}, {transform_indices = #map}, {transform_indices = #map2}]} {
    %mul3A = arith.constant 16 : i32
    %mul3A_0 = arith.muli %arg0, %mul3A : i32
    %add3A = arith.addi %mul3A_0, %arg1 : i32
    %mul3A_1 = arith.constant 640 : i32
    %mul3A_2 = arith.muli %arg1, %mul3A_1 : i32
    "tpu.region"() ({
      %run_scoped3A = tpu.sem_alloc : memref<!tpu.dma_semaphore, #tpu.memory_space<semaphore_mem>>
      %dma_start3A_21 = arith.constant 0 : i32
      %dma_start3A_22 = tpu.memref_slice %arg13[%mul3A_2, %dma_start3A_21] : memref<10240x128xf32, #tpu.memory_space<vmem_shared>> -> memref<640x128xf32, #tpu.memory_space<vmem_shared>>
      tpu.enqueue_dma source(%arg5 : memref<640x128xf32, #tpu.memory_space<hbm>>) target(%dma_start3A_22 : memref<640x128xf32, #tpu.memory_space<vmem_shared>>) target_semaphore(%run_scoped3A : memref<!tpu.dma_semaphore, #tpu.memory_space<semaphore_mem>>)
      %dma_wait3A_23 = arith.constant 0 : i32
      %dma_wait3A_24 = tpu.memref_slice %arg13[%mul3A_2, %dma_wait3A_23] : memref<10240x128xf32, #tpu.memory_space<vmem_shared>> -> memref<640x128xf32, #tpu.memory_space<vmem_shared>>
      tpu.wait_dma2 semaphore(%run_scoped3A : memref<!tpu.dma_semaphore, #tpu.memory_space<semaphore_mem>>) src(%arg5 : memref<640x128xf32, #tpu.memory_space<hbm>>) dst(%dma_wait3A_24 : memref<640x128xf32, #tpu.memory_space<vmem_shared>>)
      tpu.yield
    }) : () -> ()
    %barrier3A = arith.constant 0 : index
    tpu.barrier barrier_id(%barrier3A)
    %mul3A_3 = arith.constant 10000 : i32
    %mul3A_4 = arith.muli %add3A, %mul3A_3 : i32
    %scan3A = arith.constant 0 : i32
    %scan3A_5 = arith.constant 0 : i32
    %scan3A_6 = arith.constant 78 : i32
    %scan3A_7 = arith.addi %scan3A_5, %scan3A_6 : i32
    %scan3A_8 = arith.constant 1 : i32
    scf.for %scan3A_21 = %scan3A_5 to %scan3A_7 step %scan3A_8  : i32 {
      %mul3A_22 = arith.constant 128 : i32
      %mul3A_23 = arith.muli %scan3A_21, %mul3A_22 : i32
      %add3A_24 = arith.addi %mul3A_4, %mul3A_23 : i32
      %multiple_of3A_25 = tpu.assume_multiple %add3A_24, 8 : i32
      "tpu.region"() ({
        %run_scoped3A = tpu.sem_alloc : memref<!tpu.dma_semaphore, #tpu.memory_space<semaphore_mem>>
        %dma_start3A_32 = tpu.memref_slice %arg3[%multiple_of3A_25] : memref<320000xi32, #tpu.memory_space<hbm>> -> memref<128xi32, #tpu.memory_space<hbm>>
        %dma_start3A_33 = tpu.memref_slice %arg3[%multiple_of3A_25] : memref<320000xi32, #tpu.memory_space<hbm>> -> memref<128xi32, #tpu.memory_space<hbm>>
        tpu.enqueue_dma source(%dma_start3A_33 : memref<128xi32, #tpu.memory_space<hbm>>) target(%arg7 : memref<128xi32, #tpu.memory_space<vmem>>) target_semaphore(%run_scoped3A : memref<!tpu.dma_semaphore, #tpu.memory_space<semaphore_mem>>)
        %dma_wait3A_34 = tpu.memref_slice %arg3[%multiple_of3A_25] : memref<320000xi32, #tpu.memory_space<hbm>> -> memref<128xi32, #tpu.memory_space<hbm>>
        %dma_wait3A_35 = tpu.memref_slice %arg3[%multiple_of3A_25] : memref<320000xi32, #tpu.memory_space<hbm>> -> memref<128xi32, #tpu.memory_space<hbm>>
        tpu.wait_dma2 semaphore(%run_scoped3A : memref<!tpu.dma_semaphore, #tpu.memory_space<semaphore_mem>>) src(%dma_wait3A_35 : memref<128xi32, #tpu.memory_space<hbm>>) dst(%arg7 : memref<128xi32, #tpu.memory_space<vmem>>)
        tpu.yield
      }) : () -> ()
      "tpu.region"() ({
        %run_scoped3A = tpu.sem_alloc : memref<!tpu.dma_semaphore, #tpu.memory_space<semaphore_mem>>
        %dma_start3A_32 = tpu.memref_slice %arg4[%multiple_of3A_25] : memref<320000xi32, #tpu.memory_space<hbm>> -> memref<128xi32, #tpu.memory_space<hbm>>
        %dma_start3A_33 = tpu.memref_slice %arg4[%multiple_of3A_25] : memref<320000xi32, #tpu.memory_space<hbm>> -> memref<128xi32, #tpu.memory_space<hbm>>
        tpu.enqueue_dma source(%dma_start3A_33 : memref<128xi32, #tpu.memory_space<hbm>>) target(%arg8 : memref<128xi32, #tpu.memory_space<vmem>>) target_semaphore(%run_scoped3A : memref<!tpu.dma_semaphore, #tpu.memory_space<semaphore_mem>>)
        %dma_wait3A_34 = tpu.memref_slice %arg4[%multiple_of3A_25] : memref<320000xi32, #tpu.memory_space<hbm>> -> memref<128xi32, #tpu.memory_space<hbm>>
        %dma_wait3A_35 = tpu.memref_slice %arg4[%multiple_of3A_25] : memref<320000xi32, #tpu.memory_space<hbm>> -> memref<128xi32, #tpu.memory_space<hbm>>
        tpu.wait_dma2 semaphore(%run_scoped3A : memref<!tpu.dma_semaphore, #tpu.memory_space<semaphore_mem>>) src(%dma_wait3A_35 : memref<128xi32, #tpu.memory_space<hbm>>) dst(%arg8 : memref<128xi32, #tpu.memory_space<vmem>>)
        tpu.yield
      }) : () -> ()
      %dma_start3A_26 = arith.constant 0 : i32
      %dma_start3A_27 = arith.constant 0 : i32
      %dma_start3A_28 = tpu.memref_slice %arg2[%dma_start3A_26, %dma_start3A_27] : memref<10000x128xf32, #tpu.memory_space<hbm>> -> memref<10000x128xf32, #tpu.memory_space<hbm>>
      tpu.enqueue_indirect_dma source(%dma_start3A_28 : memref<10000x128xf32, #tpu.memory_space<hbm>>) target(%arg11 : memref<128x128xf32, #tpu.memory_space<vmem>>) offsets(%arg7 : memref<128xi32, #tpu.memory_space<vmem>>) semaphore(%arg14 : memref<!tpu.dma_semaphore, #tpu.memory_space<semaphore_mem>>)
      %dma_wait3A_29 = arith.constant 0 : i32
      %dma_wait3A_30 = arith.constant 0 : i32
      %dma_wait3A_31 = tpu.memref_slice %arg2[%dma_wait3A_29, %dma_wait3A_30] : memref<10000x128xf32, #tpu.memory_space<hbm>> -> memref<10000x128xf32, #tpu.memory_space<hbm>>
      tpu.wait_indirect_dma semaphore(%arg14 : memref<!tpu.dma_semaphore, #tpu.memory_space<semaphore_mem>>) src(%dma_wait3A_31 : memref<10000x128xf32, #tpu.memory_space<hbm>>) dst(%arg11 : memref<128x128xf32, #tpu.memory_space<vmem>>)
      "tpu.region"() ({
        %run_scoped3A = tpu.sem_alloc : memref<!tpu.dma_semaphore, #tpu.memory_space<semaphore_mem>>
        %dma_start3A_32 = arith.constant 0 : i32
        %dma_start3A_33 = arith.constant 0 : i32
        %dma_start3A_34 = tpu.memref_slice %arg13[%dma_start3A_32, %dma_start3A_33] : memref<10240x128xf32, #tpu.memory_space<vmem_shared>> -> memref<10240x128xf32, #tpu.memory_space<vmem_shared>>
        tpu.enqueue_indirect_dma source(%arg11 : memref<128x128xf32, #tpu.memory_space<vmem>>) target(%dma_start3A_34 : memref<10240x128xf32, #tpu.memory_space<vmem_shared>>) offsets(%arg8 : memref<128xi32, #tpu.memory_space<vmem>>) semaphore(%run_scoped3A : memref<!tpu.dma_semaphore, #tpu.memory_space<semaphore_mem>>) {add = true}
        %dma_wait3A_35 = arith.constant 0 : i32
        %dma_wait3A_36 = arith.constant 0 : i32
        %dma_wait3A_37 = tpu.memref_slice %arg13[%dma_wait3A_35, %dma_wait3A_36] : memref<10240x128xf32, #tpu.memory_space<vmem_shared>> -> memref<10240x128xf32, #tpu.memory_space<vmem_shared>>
        tpu.wait_indirect_dma semaphore(%run_scoped3A : memref<!tpu.dma_semaphore, #tpu.memory_space<semaphore_mem>>) src(%arg11 : memref<128x128xf32, #tpu.memory_space<vmem>>) dst(%dma_wait3A_37 : memref<10240x128xf32, #tpu.memory_space<vmem_shared>>)
        tpu.yield
      }) : () -> ()
    }
    %scan3A_9 = arith.constant 78 : i32
    %add3A_10 = arith.constant 9984 : i32
    %add3A_11 = arith.addi %mul3A_4, %add3A_10 : i32
    %multiple_of3A = tpu.assume_multiple %add3A_11, 8 : i32
    "tpu.region"() ({
      %run_scoped3A = tpu.sem_alloc : memref<!tpu.dma_semaphore, #tpu.memory_space<semaphore_mem>>
      %dma_start3A_21 = tpu.memref_slice %arg3[%multiple_of3A] : memref<320000xi32, #tpu.memory_space<hbm>> -> memref<16xi32, #tpu.memory_space<hbm>>
      %dma_start3A_22 = tpu.memref_slice %arg3[%multiple_of3A] : memref<320000xi32, #tpu.memory_space<hbm>> -> memref<16xi32, #tpu.memory_space<hbm>>
      tpu.enqueue_dma source(%dma_start3A_22 : memref<16xi32, #tpu.memory_space<hbm>>) target(%arg9 : memref<16xi32, #tpu.memory_space<vmem>>) target_semaphore(%run_scoped3A : memref<!tpu.dma_semaphore, #tpu.memory_space<semaphore_mem>>)
      %dma_wait3A_23 = tpu.memref_slice %arg3[%multiple_of3A] : memref<320000xi32, #tpu.memory_space<hbm>> -> memref<16xi32, #tpu.memory_space<hbm>>
      %dma_wait3A_24 = tpu.memref_slice %arg3[%multiple_of3A] : memref<320000xi32, #tpu.memory_space<hbm>> -> memref<16xi32, #tpu.memory_space<hbm>>
      tpu.wait_dma2 semaphore(%run_scoped3A : memref<!tpu.dma_semaphore, #tpu.memory_space<semaphore_mem>>) src(%dma_wait3A_24 : memref<16xi32, #tpu.memory_space<hbm>>) dst(%arg9 : memref<16xi32, #tpu.memory_space<vmem>>)
      tpu.yield
    }) : () -> ()
    "tpu.region"() ({
      %run_scoped3A = tpu.sem_alloc : memref<!tpu.dma_semaphore, #tpu.memory_space<semaphore_mem>>
      %dma_start3A_21 = tpu.memref_slice %arg4[%multiple_of3A] : memref<320000xi32, #tpu.memory_space<hbm>> -> memref<16xi32, #tpu.memory_space<hbm>>
      %dma_start3A_22 = tpu.memref_slice %arg4[%multiple_of3A] : memref<320000xi32, #tpu.memory_space<hbm>> -> memref<16xi32, #tpu.memory_space<hbm>>
      tpu.enqueue_dma source(%dma_start3A_22 : memref<16xi32, #tpu.memory_space<hbm>>) target(%arg10 : memref<16xi32, #tpu.memory_space<vmem>>) target_semaphore(%run_scoped3A : memref<!tpu.dma_semaphore, #tpu.memory_space<semaphore_mem>>)
      %dma_wait3A_23 = tpu.memref_slice %arg4[%multiple_of3A] : memref<320000xi32, #tpu.memory_space<hbm>> -> memref<16xi32, #tpu.memory_space<hbm>>
      %dma_wait3A_24 = tpu.memref_slice %arg4[%multiple_of3A] : memref<320000xi32, #tpu.memory_space<hbm>> -> memref<16xi32, #tpu.memory_space<hbm>>
      tpu.wait_dma2 semaphore(%run_scoped3A : memref<!tpu.dma_semaphore, #tpu.memory_space<semaphore_mem>>) src(%dma_wait3A_24 : memref<16xi32, #tpu.memory_space<hbm>>) dst(%arg10 : memref<16xi32, #tpu.memory_space<vmem>>)
      tpu.yield
    }) : () -> ()
    %dma_start3A = arith.constant 0 : i32
    %dma_start3A_12 = arith.constant 0 : i32
    %dma_start3A_13 = tpu.memref_slice %arg2[%dma_start3A, %dma_start3A_12] : memref<10000x128xf32, #tpu.memory_space<hbm>> -> memref<10000x128xf32, #tpu.memory_space<hbm>>
    tpu.enqueue_indirect_dma source(%dma_start3A_13 : memref<10000x128xf32, #tpu.memory_space<hbm>>) target(%arg12 : memref<16x128xf32, #tpu.memory_space<vmem>>) offsets(%arg9 : memref<16xi32, #tpu.memory_space<vmem>>) semaphore(%arg14 : memref<!tpu.dma_semaphore, #tpu.memory_space<semaphore_mem>>)
    %dma_wait3A = arith.constant 0 : i32
    %dma_wait3A_14 = arith.constant 0 : i32
    %dma_wait3A_15 = tpu.memref_slice %arg2[%dma_wait3A, %dma_wait3A_14] : memref<10000x128xf32, #tpu.memory_space<hbm>> -> memref<10000x128xf32, #tpu.memory_space<hbm>>
    tpu.wait_indirect_dma semaphore(%arg14 : memref<!tpu.dma_semaphore, #tpu.memory_space<semaphore_mem>>) src(%dma_wait3A_15 : memref<10000x128xf32, #tpu.memory_space<hbm>>) dst(%arg12 : memref<16x128xf32, #tpu.memory_space<vmem>>)
    "tpu.region"() ({
      %run_scoped3A = tpu.sem_alloc : memref<!tpu.dma_semaphore, #tpu.memory_space<semaphore_mem>>
      %dma_start3A_21 = arith.constant 0 : i32
      %dma_start3A_22 = arith.constant 0 : i32
      %dma_start3A_23 = tpu.memref_slice %arg13[%dma_start3A_21, %dma_start3A_22] : memref<10240x128xf32, #tpu.memory_space<vmem_shared>> -> memref<10240x128xf32, #tpu.memory_space<vmem_shared>>
      tpu.enqueue_indirect_dma source(%arg12 : memref<16x128xf32, #tpu.memory_space<vmem>>) target(%dma_start3A_23 : memref<10240x128xf32, #tpu.memory_space<vmem_shared>>) offsets(%arg10 : memref<16xi32, #tpu.memory_space<vmem>>) semaphore(%run_scoped3A : memref<!tpu.dma_semaphore, #tpu.memory_space<semaphore_mem>>) {add = true}
      %dma_wait3A_24 = arith.constant 0 : i32
      %dma_wait3A_25 = arith.constant 0 : i32
      %dma_wait3A_26 = tpu.memref_slice %arg13[%dma_wait3A_24, %dma_wait3A_25] : memref<10240x128xf32, #tpu.memory_space<vmem_shared>> -> memref<10240x128xf32, #tpu.memory_space<vmem_shared>>
      tpu.wait_indirect_dma semaphore(%run_scoped3A : memref<!tpu.dma_semaphore, #tpu.memory_space<semaphore_mem>>) src(%arg12 : memref<16x128xf32, #tpu.memory_space<vmem>>) dst(%dma_wait3A_26 : memref<10240x128xf32, #tpu.memory_space<vmem_shared>>)
      tpu.yield
    }) : () -> ()
    %barrier3A_16 = arith.constant 0 : index
    tpu.barrier barrier_id(%barrier3A_16)
    %mul3A_17 = arith.constant 640 : i32
    %mul3A_18 = arith.muli %arg1, %mul3A_17 : i32
    %mul3A_19 = arith.constant 640 : i32
    %mul3A_20 = arith.muli %arg1, %mul3A_19 : i32
    "tpu.region"() ({
      %run_scoped3A = tpu.sem_alloc : memref<!tpu.dma_semaphore, #tpu.memory_space<semaphore_mem>>
      %dma_start3A_21 = arith.constant 0 : i32
      %dma_start3A_22 = tpu.memref_slice %arg6[%arg0, %mul3A_20, %dma_start3A_21] : memref<2x10240x128xf32, #tpu.memory_space<hbm>> -> memref<1x640x128xf32, #tpu.memory_space<hbm>>
      %dma_start3A_23 = tpu.memref_squeeze %dma_start3A_22 : memref<1x640x128xf32, #tpu.memory_space<hbm>> -> memref<640x128xf32, #tpu.memory_space<hbm>>
      %dma_start3A_24 = arith.constant 0 : i32
      %dma_start3A_25 = tpu.memref_slice %arg13[%mul3A_18, %dma_start3A_24] : memref<10240x128xf32, #tpu.memory_space<vmem_shared>> -> memref<640x128xf32, #tpu.memory_space<vmem_shared>>
      tpu.enqueue_dma source(%dma_start3A_25 : memref<640x128xf32, #tpu.memory_space<vmem_shared>>) target(%dma_start3A_23 : memref<640x128xf32, #tpu.memory_space<hbm>>) target_semaphore(%run_scoped3A : memref<!tpu.dma_semaphore, #tpu.memory_space<semaphore_mem>>)
      %dma_wait3A_26 = arith.constant 0 : i32
      %dma_wait3A_27 = tpu.memref_slice %arg6[%arg0, %mul3A_20, %dma_wait3A_26] : memref<2x10240x128xf32, #tpu.memory_space<hbm>> -> memref<1x640x128xf32, #tpu.memory_space<hbm>>
      %dma_wait3A_28 = tpu.memref_squeeze %dma_wait3A_27 : memref<1x640x128xf32, #tpu.memory_space<hbm>> -> memref<640x128xf32, #tpu.memory_space<hbm>>
      %dma_wait3A_29 = arith.constant 0 : i32
      %dma_wait3A_30 = tpu.memref_slice %arg13[%mul3A_18, %dma_wait3A_29] : memref<10240x128xf32, #tpu.memory_space<vmem_shared>> -> memref<640x128xf32, #tpu.memory_space<vmem_shared>>
      tpu.wait_dma2 semaphore(%run_scoped3A : memref<!tpu.dma_semaphore, #tpu.memory_space<semaphore_mem>>) src(%dma_wait3A_30 : memref<640x128xf32, #tpu.memory_space<vmem_shared>>) dst(%dma_wait3A_28 : memref<640x128xf32, #tpu.memory_space<hbm>>)
      tpu.yield
    }) : () -> ()
    return
  }
}

#map = affine_map<(d0, d1) -> (0)>
#map1 = affine_map<(d0, d1) -> (0, 0)>
module attributes {stable_mosaic.version = 14 : i64} {
  func.func @deg_fn(%arg0: i32, %arg1: i32, %arg2: memref<327680xi32, #tpu.memory_space<hbm>>, %arg3: memref<640xf32, #tpu.memory_space<hbm>>, %arg4: memref<2x10240xf32, #tpu.memory_space<hbm>>, %arg5: memref<128xi32, #tpu.memory_space<vmem>>, %arg6: memref<128xf32, #tpu.memory_space<vmem>>, %arg7: memref<10240xf32, #tpu.memory_space<vmem_shared>>, %arg8: memref<!tpu.dma_semaphore, #tpu.memory_space<semaphore_mem>>) attributes {dimension_semantics = [#tpu.dimension_semantics<core_parallel>, #tpu.dimension_semantics<subcore_parallel>], iteration_bounds = array<i64: 2, 16>, scalar_prefetch = 0 : i64, scratch_operands = 4 : i64, tpu.core_type = #tpu.core_type<sc_vector_subcore>, window_params = [{transform_indices = #map}, {transform_indices = #map}, {transform_indices = #map1}]} {
    %mul3A = arith.constant 16 : i32
    %mul3A_0 = arith.muli %arg0, %mul3A : i32
    %add3A = arith.addi %mul3A_0, %arg1 : i32
    %mul3A_1 = arith.constant 10240 : i32
    %mul3A_2 = arith.muli %add3A, %mul3A_1 : i32
    %broadcast_in_dim3A = arith.constant 1.000000e+00 : f32
    %broadcast_in_dim3A_3 = vector.broadcast %broadcast_in_dim3A : f32 to vector<16xf32>
    %swap3A = arith.constant 0 : index
    %swap3A_4 = tpu.vector_load %arg6[%swap3A] {strides = array<i32>} : memref<128xf32, #tpu.memory_space<vmem>>, vector<16xf32>,
    %swap3A_5 = vector.shape_cast %swap3A_4 : vector<16xf32> to vector<16xf32>
    %swap3A_6 = vector.shape_cast %broadcast_in_dim3A_3 : vector<16xf32> to vector<16xf32>
    tpu.vector_store %arg6[%swap3A], %swap3A_6 {strides = array<i32>} : memref<128xf32, #tpu.memory_space<vmem>>, vector<16xf32>,
    %broadcast_in_dim3A_7 = arith.constant 1.000000e+00 : f32
    %broadcast_in_dim3A_8 = vector.broadcast %broadcast_in_dim3A_7 : f32 to vector<16xf32>
    %swap3A_9 = arith.constant 16 : index
    %swap3A_10 = tpu.vector_load %arg6[%swap3A_9] {strides = array<i32>} : memref<128xf32, #tpu.memory_space<vmem>>, vector<16xf32>,
    %swap3A_11 = vector.shape_cast %swap3A_10 : vector<16xf32> to vector<16xf32>
    %swap3A_12 = vector.shape_cast %broadcast_in_dim3A_8 : vector<16xf32> to vector<16xf32>
    tpu.vector_store %arg6[%swap3A_9], %swap3A_12 {strides = array<i32>} : memref<128xf32, #tpu.memory_space<vmem>>, vector<16xf32>,
    %broadcast_in_dim3A_13 = arith.constant 1.000000e+00 : f32
    %broadcast_in_dim3A_14 = vector.broadcast %broadcast_in_dim3A_13 : f32 to vector<16xf32>
    %swap3A_15 = arith.constant 32 : index
    %swap3A_16 = tpu.vector_load %arg6[%swap3A_15] {strides = array<i32>} : memref<128xf32, #tpu.memory_space<vmem>>, vector<16xf32>,
    %swap3A_17 = vector.shape_cast %swap3A_16 : vector<16xf32> to vector<16xf32>
    %swap3A_18 = vector.shape_cast %broadcast_in_dim3A_14 : vector<16xf32> to vector<16xf32>
    tpu.vector_store %arg6[%swap3A_15], %swap3A_18 {strides = array<i32>} : memref<128xf32, #tpu.memory_space<vmem>>, vector<16xf32>,
    %broadcast_in_dim3A_19 = arith.constant 1.000000e+00 : f32
    %broadcast_in_dim3A_20 = vector.broadcast %broadcast_in_dim3A_19 : f32 to vector<16xf32>
    %swap3A_21 = arith.constant 48 : index
    %swap3A_22 = tpu.vector_load %arg6[%swap3A_21] {strides = array<i32>} : memref<128xf32, #tpu.memory_space<vmem>>, vector<16xf32>,
    %swap3A_23 = vector.shape_cast %swap3A_22 : vector<16xf32> to vector<16xf32>
    %swap3A_24 = vector.shape_cast %broadcast_in_dim3A_20 : vector<16xf32> to vector<16xf32>
    tpu.vector_store %arg6[%swap3A_21], %swap3A_24 {strides = array<i32>} : memref<128xf32, #tpu.memory_space<vmem>>, vector<16xf32>,
    %broadcast_in_dim3A_25 = arith.constant 1.000000e+00 : f32
    %broadcast_in_dim3A_26 = vector.broadcast %broadcast_in_dim3A_25 : f32 to vector<16xf32>
    %swap3A_27 = arith.constant 64 : index
    %swap3A_28 = tpu.vector_load %arg6[%swap3A_27] {strides = array<i32>} : memref<128xf32, #tpu.memory_space<vmem>>, vector<16xf32>,
    %swap3A_29 = vector.shape_cast %swap3A_28 : vector<16xf32> to vector<16xf32>
    %swap3A_30 = vector.shape_cast %broadcast_in_dim3A_26 : vector<16xf32> to vector<16xf32>
    tpu.vector_store %arg6[%swap3A_27], %swap3A_30 {strides = array<i32>} : memref<128xf32, #tpu.memory_space<vmem>>, vector<16xf32>,
    %broadcast_in_dim3A_31 = arith.constant 1.000000e+00 : f32
    %broadcast_in_dim3A_32 = vector.broadcast %broadcast_in_dim3A_31 : f32 to vector<16xf32>
    %swap3A_33 = arith.constant 80 : index
    %swap3A_34 = tpu.vector_load %arg6[%swap3A_33] {strides = array<i32>} : memref<128xf32, #tpu.memory_space<vmem>>, vector<16xf32>,
    %swap3A_35 = vector.shape_cast %swap3A_34 : vector<16xf32> to vector<16xf32>
    %swap3A_36 = vector.shape_cast %broadcast_in_dim3A_32 : vector<16xf32> to vector<16xf32>
    tpu.vector_store %arg6[%swap3A_33], %swap3A_36 {strides = array<i32>} : memref<128xf32, #tpu.memory_space<vmem>>, vector<16xf32>,
    %broadcast_in_dim3A_37 = arith.constant 1.000000e+00 : f32
    %broadcast_in_dim3A_38 = vector.broadcast %broadcast_in_dim3A_37 : f32 to vector<16xf32>
    %swap3A_39 = arith.constant 96 : index
    %swap3A_40 = tpu.vector_load %arg6[%swap3A_39] {strides = array<i32>} : memref<128xf32, #tpu.memory_space<vmem>>, vector<16xf32>,
    %swap3A_41 = vector.shape_cast %swap3A_40 : vector<16xf32> to vector<16xf32>
    %swap3A_42 = vector.shape_cast %broadcast_in_dim3A_38 : vector<16xf32> to vector<16xf32>
    tpu.vector_store %arg6[%swap3A_39], %swap3A_42 {strides = array<i32>} : memref<128xf32, #tpu.memory_space<vmem>>, vector<16xf32>,
    %broadcast_in_dim3A_43 = arith.constant 1.000000e+00 : f32
    %broadcast_in_dim3A_44 = vector.broadcast %broadcast_in_dim3A_43 : f32 to vector<16xf32>
    %swap3A_45 = arith.constant 112 : index
    %swap3A_46 = tpu.vector_load %arg6[%swap3A_45] {strides = array<i32>} : memref<128xf32, #tpu.memory_space<vmem>>, vector<16xf32>,
    %swap3A_47 = vector.shape_cast %swap3A_46 : vector<16xf32> to vector<16xf32>
    %swap3A_48 = vector.shape_cast %broadcast_in_dim3A_44 : vector<16xf32> to vector<16xf32>
    tpu.vector_store %arg6[%swap3A_45], %swap3A_48 {strides = array<i32>} : memref<128xf32, #tpu.memory_space<vmem>>, vector<16xf32>,
    %mul3A_49 = arith.constant 640 : i32
    %mul3A_50 = arith.muli %arg1, %mul3A_49 : i32
    "tpu.region"() ({
      %run_scoped3A = tpu.sem_alloc : memref<!tpu.dma_semaphore, #tpu.memory_space<semaphore_mem>>
      %dma_start3A = tpu.memref_slice %arg7[%mul3A_50] : memref<10240xf32, #tpu.memory_space<vmem_shared>> -> memref<640xf32, #tpu.memory_space<vmem_shared>>
      tpu.enqueue_dma source(%arg3 : memref<640xf32, #tpu.memory_space<hbm>>) target(%dma_start3A : memref<640xf32, #tpu.memory_space<vmem_shared>>) target_semaphore(%run_scoped3A : memref<!tpu.dma_semaphore, #tpu.memory_space<semaphore_mem>>)
      %dma_wait3A = tpu.memref_slice %arg7[%mul3A_50] : memref<10240xf32, #tpu.memory_space<vmem_shared>> -> memref<640xf32, #tpu.memory_space<vmem_shared>>
      tpu.wait_dma2 semaphore(%run_scoped3A : memref<!tpu.dma_semaphore, #tpu.memory_space<semaphore_mem>>) src(%arg3 : memref<640xf32, #tpu.memory_space<hbm>>) dst(%dma_wait3A : memref<640xf32, #tpu.memory_space<vmem_shared>>)
      tpu.yield
    }) : () -> ()
    %barrier3A = arith.constant 0 : index
    tpu.barrier barrier_id(%barrier3A)
    %scan3A = arith.constant 0 : i32
    %scan3A_51 = arith.constant 0 : i32
    %scan3A_52 = arith.constant 80 : i32
    %scan3A_53 = arith.addi %scan3A_51, %scan3A_52 : i32
    %scan3A_54 = arith.constant 1 : i32
    scf.for %scan3A_61 = %scan3A_51 to %scan3A_53 step %scan3A_54  : i32 {
      %mul3A_62 = arith.constant 128 : i32
      %mul3A_63 = arith.muli %scan3A_61, %mul3A_62 : i32
      %add3A_64 = arith.addi %mul3A_2, %mul3A_63 : i32
      %multiple_of3A = tpu.assume_multiple %add3A_64, 8 : i32
      "tpu.region"() ({
        %run_scoped3A = tpu.sem_alloc : memref<!tpu.dma_semaphore, #tpu.memory_space<semaphore_mem>>
        %dma_start3A = tpu.memref_slice %arg2[%multiple_of3A] : memref<327680xi32, #tpu.memory_space<hbm>> -> memref<128xi32, #tpu.memory_space<hbm>>
        %dma_start3A_65 = tpu.memref_slice %arg2[%multiple_of3A] : memref<327680xi32, #tpu.memory_space<hbm>> -> memref<128xi32, #tpu.memory_space<hbm>>
        tpu.enqueue_dma source(%dma_start3A_65 : memref<128xi32, #tpu.memory_space<hbm>>) target(%arg5 : memref<128xi32, #tpu.memory_space<vmem>>) target_semaphore(%run_scoped3A : memref<!tpu.dma_semaphore, #tpu.memory_space<semaphore_mem>>)
        %dma_wait3A = tpu.memref_slice %arg2[%multiple_of3A] : memref<327680xi32, #tpu.memory_space<hbm>> -> memref<128xi32, #tpu.memory_space<hbm>>
        %dma_wait3A_66 = tpu.memref_slice %arg2[%multiple_of3A] : memref<327680xi32, #tpu.memory_space<hbm>> -> memref<128xi32, #tpu.memory_space<hbm>>
        tpu.wait_dma2 semaphore(%run_scoped3A : memref<!tpu.dma_semaphore, #tpu.memory_space<semaphore_mem>>) src(%dma_wait3A_66 : memref<128xi32, #tpu.memory_space<hbm>>) dst(%arg5 : memref<128xi32, #tpu.memory_space<vmem>>)
        tpu.yield
      }) : () -> ()
      "tpu.region"() ({
        %run_scoped3A = tpu.sem_alloc : memref<!tpu.dma_semaphore, #tpu.memory_space<semaphore_mem>>
        %dma_start3A = arith.constant 0 : i32
        %dma_start3A_65 = tpu.memref_slice %arg7[%dma_start3A] : memref<10240xf32, #tpu.memory_space<vmem_shared>> -> memref<10240xf32, #tpu.memory_space<vmem_shared>>
        tpu.enqueue_indirect_dma source(%arg6 : memref<128xf32, #tpu.memory_space<vmem>>) target(%dma_start3A_65 : memref<10240xf32, #tpu.memory_space<vmem_shared>>) offsets(%arg5 : memref<128xi32, #tpu.memory_space<vmem>>) semaphore(%run_scoped3A : memref<!tpu.dma_semaphore, #tpu.memory_space<semaphore_mem>>) {add = true}
        %dma_wait3A = arith.constant 0 : i32
        %dma_wait3A_66 = tpu.memref_slice %arg7[%dma_wait3A] : memref<10240xf32, #tpu.memory_space<vmem_shared>> -> memref<10240xf32, #tpu.memory_space<vmem_shared>>
        tpu.wait_indirect_dma semaphore(%run_scoped3A : memref<!tpu.dma_semaphore, #tpu.memory_space<semaphore_mem>>) src(%arg6 : memref<128xf32, #tpu.memory_space<vmem>>) dst(%dma_wait3A_66 : memref<10240xf32, #tpu.memory_space<vmem_shared>>)
        tpu.yield
      }) : () -> ()
    }
    %scan3A_55 = arith.constant 80 : i32
    %barrier3A_56 = arith.constant 0 : index
    tpu.barrier barrier_id(%barrier3A_56)
    %mul3A_57 = arith.constant 640 : i32
    %mul3A_58 = arith.muli %arg1, %mul3A_57 : i32
    %mul3A_59 = arith.constant 640 : i32
    %mul3A_60 = arith.muli %arg1, %mul3A_59 : i32
    "tpu.region"() ({
      %run_scoped3A = tpu.sem_alloc : memref<!tpu.dma_semaphore, #tpu.memory_space<semaphore_mem>>
      %dma_start3A = tpu.memref_slice %arg4[%arg0, %mul3A_60] : memref<2x10240xf32, #tpu.memory_space<hbm>> -> memref<1x640xf32, #tpu.memory_space<hbm>>
      %dma_start3A_61 = tpu.memref_squeeze %dma_start3A : memref<1x640xf32, #tpu.memory_space<hbm>> -> memref<640xf32, #tpu.memory_space<hbm>>
      %dma_start3A_62 = tpu.memref_slice %arg7[%mul3A_58] : memref<10240xf32, #tpu.memory_space<vmem_shared>> -> memref<640xf32, #tpu.memory_space<vmem_shared>>
      tpu.enqueue_dma source(%dma_start3A_62 : memref<640xf32, #tpu.memory_space<vmem_shared>>) target(%dma_start3A_61 : memref<640xf32, #tpu.memory_space<hbm>>) target_semaphore(%run_scoped3A : memref<!tpu.dma_semaphore, #tpu.memory_space<semaphore_mem>>)
      %dma_wait3A = tpu.memref_slice %arg4[%arg0, %mul3A_60] : memref<2x10240xf32, #tpu.memory_space<hbm>> -> memref<1x640xf32, #tpu.memory_space<hbm>>
      %dma_wait3A_63 = tpu.memref_squeeze %dma_wait3A : memref<1x640xf32, #tpu.memory_space<hbm>> -> memref<640xf32, #tpu.memory_space<hbm>>
      %dma_wait3A_64 = tpu.memref_slice %arg7[%mul3A_58] : memref<10240xf32, #tpu.memory_space<vmem_shared>> -> memref<640xf32, #tpu.memory_space<vmem_shared>>
      tpu.wait_dma2 semaphore(%run_scoped3A : memref<!tpu.dma_semaphore, #tpu.memory_space<semaphore_mem>>) src(%dma_wait3A_64 : memref<640xf32, #tpu.memory_space<vmem_shared>>) dst(%dma_wait3A_63 : memref<640xf32, #tpu.memory_space<hbm>>)
      tpu.yield
    }) : () -> ()
    return
  }
}

#map = affine_map<(d0, d1) -> (0, 0)>
#map1 = affine_map<(d0, d1) -> (0)>
#map2 = affine_map<(d0, d1) -> (0, 0, 0)>
module attributes {stable_mosaic.version = 14 : i64} {
  func.func @agg_fn(%arg0: i32, %arg1: i32, %arg2: memref<10000x128xf32, #tpu.memory_space<hbm>>, %arg3: memref<320000xi32, #tpu.memory_space<hbm>>, %arg4: memref<320000xi32, #tpu.memory_space<hbm>>, %arg5: memref<640x128xf32, #tpu.memory_space<hbm>>, %arg6: memref<2x10240x128xf32, #tpu.memory_space<hbm>>, %arg7: memref<128xi32, #tpu.memory_space<vmem>>, %arg8: memref<128xi32, #tpu.memory_space<vmem>>, %arg9: memref<16xi32, #tpu.memory_space<vmem>>, %arg10: memref<16xi32, #tpu.memory_space<vmem>>, %arg11: memref<128x128xf32, #tpu.memory_space<vmem>>, %arg12: memref<16x128xf32, #tpu.memory_space<vmem>>, %arg13: memref<10240x128xf32, #tpu.memory_space<vmem_shared>>, %arg14: memref<!tpu.dma_semaphore, #tpu.memory_space<semaphore_mem>>) attributes {dimension_semantics = [#tpu.dimension_semantics<core_parallel>, #tpu.dimension_semantics<subcore_parallel>], iteration_bounds = array<i64: 2, 16>, scalar_prefetch = 0 : i64, scratch_operands = 8 : i64, tpu.core_type = #tpu.core_type<sc_vector_subcore>, window_params = [{transform_indices = #map}, {transform_indices = #map1}, {transform_indices = #map1}, {transform_indices = #map}, {transform_indices = #map2}]} {
    %mul3A = arith.constant 16 : i32
    %mul3A_0 = arith.muli %arg0, %mul3A : i32
    %add3A = arith.addi %mul3A_0, %arg1 : i32
    %mul3A_1 = arith.constant 640 : i32
    %mul3A_2 = arith.muli %arg1, %mul3A_1 : i32
    "tpu.region"() ({
      %run_scoped3A = tpu.sem_alloc : memref<!tpu.dma_semaphore, #tpu.memory_space<semaphore_mem>>
      %dma_start3A_21 = arith.constant 0 : i32
      %dma_start3A_22 = tpu.memref_slice %arg13[%mul3A_2, %dma_start3A_21] : memref<10240x128xf32, #tpu.memory_space<vmem_shared>> -> memref<640x128xf32, #tpu.memory_space<vmem_shared>>
      tpu.enqueue_dma source(%arg5 : memref<640x128xf32, #tpu.memory_space<hbm>>) target(%dma_start3A_22 : memref<640x128xf32, #tpu.memory_space<vmem_shared>>) target_semaphore(%run_scoped3A : memref<!tpu.dma_semaphore, #tpu.memory_space<semaphore_mem>>)
      %dma_wait3A_23 = arith.constant 0 : i32
      %dma_wait3A_24 = tpu.memref_slice %arg13[%mul3A_2, %dma_wait3A_23] : memref<10240x128xf32, #tpu.memory_space<vmem_shared>> -> memref<640x128xf32, #tpu.memory_space<vmem_shared>>
      tpu.wait_dma2 semaphore(%run_scoped3A : memref<!tpu.dma_semaphore, #tpu.memory_space<semaphore_mem>>) src(%arg5 : memref<640x128xf32, #tpu.memory_space<hbm>>) dst(%dma_wait3A_24 : memref<640x128xf32, #tpu.memory_space<vmem_shared>>)
      tpu.yield
    }) : () -> ()
    %barrier3A = arith.constant 0 : index
    tpu.barrier barrier_id(%barrier3A)
    %mul3A_3 = arith.constant 10000 : i32
    %mul3A_4 = arith.muli %add3A, %mul3A_3 : i32
    %scan3A = arith.constant 0 : i32
    %scan3A_5 = arith.constant 0 : i32
    %scan3A_6 = arith.constant 78 : i32
    %scan3A_7 = arith.addi %scan3A_5, %scan3A_6 : i32
    %scan3A_8 = arith.constant 1 : i32
    scf.for %scan3A_21 = %scan3A_5 to %scan3A_7 step %scan3A_8  : i32 {
      %mul3A_22 = arith.constant 128 : i32
      %mul3A_23 = arith.muli %scan3A_21, %mul3A_22 : i32
      %add3A_24 = arith.addi %mul3A_4, %mul3A_23 : i32
      %multiple_of3A_25 = tpu.assume_multiple %add3A_24, 8 : i32
      "tpu.region"() ({
        %run_scoped3A = tpu.sem_alloc : memref<!tpu.dma_semaphore, #tpu.memory_space<semaphore_mem>>
        %dma_start3A_32 = tpu.memref_slice %arg3[%multiple_of3A_25] : memref<320000xi32, #tpu.memory_space<hbm>> -> memref<128xi32, #tpu.memory_space<hbm>>
        %dma_start3A_33 = tpu.memref_slice %arg3[%multiple_of3A_25] : memref<320000xi32, #tpu.memory_space<hbm>> -> memref<128xi32, #tpu.memory_space<hbm>>
        tpu.enqueue_dma source(%dma_start3A_33 : memref<128xi32, #tpu.memory_space<hbm>>) target(%arg7 : memref<128xi32, #tpu.memory_space<vmem>>) target_semaphore(%run_scoped3A : memref<!tpu.dma_semaphore, #tpu.memory_space<semaphore_mem>>)
        %dma_wait3A_34 = tpu.memref_slice %arg3[%multiple_of3A_25] : memref<320000xi32, #tpu.memory_space<hbm>> -> memref<128xi32, #tpu.memory_space<hbm>>
        %dma_wait3A_35 = tpu.memref_slice %arg3[%multiple_of3A_25] : memref<320000xi32, #tpu.memory_space<hbm>> -> memref<128xi32, #tpu.memory_space<hbm>>
        tpu.wait_dma2 semaphore(%run_scoped3A : memref<!tpu.dma_semaphore, #tpu.memory_space<semaphore_mem>>) src(%dma_wait3A_35 : memref<128xi32, #tpu.memory_space<hbm>>) dst(%arg7 : memref<128xi32, #tpu.memory_space<vmem>>)
        tpu.yield
      }) : () -> ()
      "tpu.region"() ({
        %run_scoped3A = tpu.sem_alloc : memref<!tpu.dma_semaphore, #tpu.memory_space<semaphore_mem>>
        %dma_start3A_32 = tpu.memref_slice %arg4[%multiple_of3A_25] : memref<320000xi32, #tpu.memory_space<hbm>> -> memref<128xi32, #tpu.memory_space<hbm>>
        %dma_start3A_33 = tpu.memref_slice %arg4[%multiple_of3A_25] : memref<320000xi32, #tpu.memory_space<hbm>> -> memref<128xi32, #tpu.memory_space<hbm>>
        tpu.enqueue_dma source(%dma_start3A_33 : memref<128xi32, #tpu.memory_space<hbm>>) target(%arg8 : memref<128xi32, #tpu.memory_space<vmem>>) target_semaphore(%run_scoped3A : memref<!tpu.dma_semaphore, #tpu.memory_space<semaphore_mem>>)
        %dma_wait3A_34 = tpu.memref_slice %arg4[%multiple_of3A_25] : memref<320000xi32, #tpu.memory_space<hbm>> -> memref<128xi32, #tpu.memory_space<hbm>>
        %dma_wait3A_35 = tpu.memref_slice %arg4[%multiple_of3A_25] : memref<320000xi32, #tpu.memory_space<hbm>> -> memref<128xi32, #tpu.memory_space<hbm>>
        tpu.wait_dma2 semaphore(%run_scoped3A : memref<!tpu.dma_semaphore, #tpu.memory_space<semaphore_mem>>) src(%dma_wait3A_35 : memref<128xi32, #tpu.memory_space<hbm>>) dst(%arg8 : memref<128xi32, #tpu.memory_space<vmem>>)
        tpu.yield
      }) : () -> ()
      %dma_start3A_26 = arith.constant 0 : i32
      %dma_start3A_27 = arith.constant 0 : i32
      %dma_start3A_28 = tpu.memref_slice %arg2[%dma_start3A_26, %dma_start3A_27] : memref<10000x128xf32, #tpu.memory_space<hbm>> -> memref<10000x128xf32, #tpu.memory_space<hbm>>
      tpu.enqueue_indirect_dma source(%dma_start3A_28 : memref<10000x128xf32, #tpu.memory_space<hbm>>) target(%arg11 : memref<128x128xf32, #tpu.memory_space<vmem>>) offsets(%arg7 : memref<128xi32, #tpu.memory_space<vmem>>) semaphore(%arg14 : memref<!tpu.dma_semaphore, #tpu.memory_space<semaphore_mem>>)
      %dma_wait3A_29 = arith.constant 0 : i32
      %dma_wait3A_30 = arith.constant 0 : i32
      %dma_wait3A_31 = tpu.memref_slice %arg2[%dma_wait3A_29, %dma_wait3A_30] : memref<10000x128xf32, #tpu.memory_space<hbm>> -> memref<10000x128xf32, #tpu.memory_space<hbm>>
      tpu.wait_indirect_dma semaphore(%arg14 : memref<!tpu.dma_semaphore, #tpu.memory_space<semaphore_mem>>) src(%dma_wait3A_31 : memref<10000x128xf32, #tpu.memory_space<hbm>>) dst(%arg11 : memref<128x128xf32, #tpu.memory_space<vmem>>)
      "tpu.region"() ({
        %run_scoped3A = tpu.sem_alloc : memref<!tpu.dma_semaphore, #tpu.memory_space<semaphore_mem>>
        %dma_start3A_32 = arith.constant 0 : i32
        %dma_start3A_33 = arith.constant 0 : i32
        %dma_start3A_34 = tpu.memref_slice %arg13[%dma_start3A_32, %dma_start3A_33] : memref<10240x128xf32, #tpu.memory_space<vmem_shared>> -> memref<10240x128xf32, #tpu.memory_space<vmem_shared>>
        tpu.enqueue_indirect_dma source(%arg11 : memref<128x128xf32, #tpu.memory_space<vmem>>) target(%dma_start3A_34 : memref<10240x128xf32, #tpu.memory_space<vmem_shared>>) offsets(%arg8 : memref<128xi32, #tpu.memory_space<vmem>>) semaphore(%run_scoped3A : memref<!tpu.dma_semaphore, #tpu.memory_space<semaphore_mem>>) {add = true}
        %dma_wait3A_35 = arith.constant 0 : i32
        %dma_wait3A_36 = arith.constant 0 : i32
        %dma_wait3A_37 = tpu.memref_slice %arg13[%dma_wait3A_35, %dma_wait3A_36] : memref<10240x128xf32, #tpu.memory_space<vmem_shared>> -> memref<10240x128xf32, #tpu.memory_space<vmem_shared>>
        tpu.wait_indirect_dma semaphore(%run_scoped3A : memref<!tpu.dma_semaphore, #tpu.memory_space<semaphore_mem>>) src(%arg11 : memref<128x128xf32, #tpu.memory_space<vmem>>) dst(%dma_wait3A_37 : memref<10240x128xf32, #tpu.memory_space<vmem_shared>>)
        tpu.yield
      }) : () -> ()
    }
    %scan3A_9 = arith.constant 78 : i32
    %add3A_10 = arith.constant 9984 : i32
    %add3A_11 = arith.addi %mul3A_4, %add3A_10 : i32
    %multiple_of3A = tpu.assume_multiple %add3A_11, 8 : i32
    "tpu.region"() ({
      %run_scoped3A = tpu.sem_alloc : memref<!tpu.dma_semaphore, #tpu.memory_space<semaphore_mem>>
      %dma_start3A_21 = tpu.memref_slice %arg3[%multiple_of3A] : memref<320000xi32, #tpu.memory_space<hbm>> -> memref<16xi32, #tpu.memory_space<hbm>>
      %dma_start3A_22 = tpu.memref_slice %arg3[%multiple_of3A] : memref<320000xi32, #tpu.memory_space<hbm>> -> memref<16xi32, #tpu.memory_space<hbm>>
      tpu.enqueue_dma source(%dma_start3A_22 : memref<16xi32, #tpu.memory_space<hbm>>) target(%arg9 : memref<16xi32, #tpu.memory_space<vmem>>) target_semaphore(%run_scoped3A : memref<!tpu.dma_semaphore, #tpu.memory_space<semaphore_mem>>)
      %dma_wait3A_23 = tpu.memref_slice %arg3[%multiple_of3A] : memref<320000xi32, #tpu.memory_space<hbm>> -> memref<16xi32, #tpu.memory_space<hbm>>
      %dma_wait3A_24 = tpu.memref_slice %arg3[%multiple_of3A] : memref<320000xi32, #tpu.memory_space<hbm>> -> memref<16xi32, #tpu.memory_space<hbm>>
      tpu.wait_dma2 semaphore(%run_scoped3A : memref<!tpu.dma_semaphore, #tpu.memory_space<semaphore_mem>>) src(%dma_wait3A_24 : memref<16xi32, #tpu.memory_space<hbm>>) dst(%arg9 : memref<16xi32, #tpu.memory_space<vmem>>)
      tpu.yield
    }) : () -> ()
    "tpu.region"() ({
      %run_scoped3A = tpu.sem_alloc : memref<!tpu.dma_semaphore, #tpu.memory_space<semaphore_mem>>
      %dma_start3A_21 = tpu.memref_slice %arg4[%multiple_of3A] : memref<320000xi32, #tpu.memory_space<hbm>> -> memref<16xi32, #tpu.memory_space<hbm>>
      %dma_start3A_22 = tpu.memref_slice %arg4[%multiple_of3A] : memref<320000xi32, #tpu.memory_space<hbm>> -> memref<16xi32, #tpu.memory_space<hbm>>
      tpu.enqueue_dma source(%dma_start3A_22 : memref<16xi32, #tpu.memory_space<hbm>>) target(%arg10 : memref<16xi32, #tpu.memory_space<vmem>>) target_semaphore(%run_scoped3A : memref<!tpu.dma_semaphore, #tpu.memory_space<semaphore_mem>>)
      %dma_wait3A_23 = tpu.memref_slice %arg4[%multiple_of3A] : memref<320000xi32, #tpu.memory_space<hbm>> -> memref<16xi32, #tpu.memory_space<hbm>>
      %dma_wait3A_24 = tpu.memref_slice %arg4[%multiple_of3A] : memref<320000xi32, #tpu.memory_space<hbm>> -> memref<16xi32, #tpu.memory_space<hbm>>
      tpu.wait_dma2 semaphore(%run_scoped3A : memref<!tpu.dma_semaphore, #tpu.memory_space<semaphore_mem>>) src(%dma_wait3A_24 : memref<16xi32, #tpu.memory_space<hbm>>) dst(%arg10 : memref<16xi32, #tpu.memory_space<vmem>>)
      tpu.yield
    }) : () -> ()
    %dma_start3A = arith.constant 0 : i32
    %dma_start3A_12 = arith.constant 0 : i32
    %dma_start3A_13 = tpu.memref_slice %arg2[%dma_start3A, %dma_start3A_12] : memref<10000x128xf32, #tpu.memory_space<hbm>> -> memref<10000x128xf32, #tpu.memory_space<hbm>>
    tpu.enqueue_indirect_dma source(%dma_start3A_13 : memref<10000x128xf32, #tpu.memory_space<hbm>>) target(%arg12 : memref<16x128xf32, #tpu.memory_space<vmem>>) offsets(%arg9 : memref<16xi32, #tpu.memory_space<vmem>>) semaphore(%arg14 : memref<!tpu.dma_semaphore, #tpu.memory_space<semaphore_mem>>)
    %dma_wait3A = arith.constant 0 : i32
    %dma_wait3A_14 = arith.constant 0 : i32
    %dma_wait3A_15 = tpu.memref_slice %arg2[%dma_wait3A, %dma_wait3A_14] : memref<10000x128xf32, #tpu.memory_space<hbm>> -> memref<10000x128xf32, #tpu.memory_space<hbm>>
    tpu.wait_indirect_dma semaphore(%arg14 : memref<!tpu.dma_semaphore, #tpu.memory_space<semaphore_mem>>) src(%dma_wait3A_15 : memref<10000x128xf32, #tpu.memory_space<hbm>>) dst(%arg12 : memref<16x128xf32, #tpu.memory_space<vmem>>)
    "tpu.region"() ({
      %run_scoped3A = tpu.sem_alloc : memref<!tpu.dma_semaphore, #tpu.memory_space<semaphore_mem>>
      %dma_start3A_21 = arith.constant 0 : i32
      %dma_start3A_22 = arith.constant 0 : i32
      %dma_start3A_23 = tpu.memref_slice %arg13[%dma_start3A_21, %dma_start3A_22] : memref<10240x128xf32, #tpu.memory_space<vmem_shared>> -> memref<10240x128xf32, #tpu.memory_space<vmem_shared>>
      tpu.enqueue_indirect_dma source(%arg12 : memref<16x128xf32, #tpu.memory_space<vmem>>) target(%dma_start3A_23 : memref<10240x128xf32, #tpu.memory_space<vmem_shared>>) offsets(%arg10 : memref<16xi32, #tpu.memory_space<vmem>>) semaphore(%run_scoped3A : memref<!tpu.dma_semaphore, #tpu.memory_space<semaphore_mem>>) {add = true}
      %dma_wait3A_24 = arith.constant 0 : i32
      %dma_wait3A_25 = arith.constant 0 : i32
      %dma_wait3A_26 = tpu.memref_slice %arg13[%dma_wait3A_24, %dma_wait3A_25] : memref<10240x128xf32, #tpu.memory_space<vmem_shared>> -> memref<10240x128xf32, #tpu.memory_space<vmem_shared>>
      tpu.wait_indirect_dma semaphore(%run_scoped3A : memref<!tpu.dma_semaphore, #tpu.memory_space<semaphore_mem>>) src(%arg12 : memref<16x128xf32, #tpu.memory_space<vmem>>) dst(%dma_wait3A_26 : memref<10240x128xf32, #tpu.memory_space<vmem_shared>>)
      tpu.yield
    }) : () -> ()
    %barrier3A_16 = arith.constant 0 : index
    tpu.barrier barrier_id(%barrier3A_16)
    %mul3A_17 = arith.constant 640 : i32
    %mul3A_18 = arith.muli %arg1, %mul3A_17 : i32
    %mul3A_19 = arith.constant 640 : i32
    %mul3A_20 = arith.muli %arg1, %mul3A_19 : i32
    "tpu.region"() ({
      %run_scoped3A = tpu.sem_alloc : memref<!tpu.dma_semaphore, #tpu.memory_space<semaphore_mem>>
      %dma_start3A_21 = arith.constant 0 : i32
      %dma_start3A_22 = tpu.memref_slice %arg6[%arg0, %mul3A_20, %dma_start3A_21] : memref<2x10240x128xf32, #tpu.memory_space<hbm>> -> memref<1x640x128xf32, #tpu.memory_space<hbm>>
      %dma_start3A_23 = tpu.memref_squeeze %dma_start3A_22 : memref<1x640x128xf32, #tpu.memory_space<hbm>> -> memref<640x128xf32, #tpu.memory_space<hbm>>
      %dma_start3A_24 = arith.constant 0 : i32
      %dma_start3A_25 = tpu.memref_slice %arg13[%mul3A_18, %dma_start3A_24] : memref<10240x128xf32, #tpu.memory_space<vmem_shared>> -> memref<640x128xf32, #tpu.memory_space<vmem_shared>>
      tpu.enqueue_dma source(%dma_start3A_25 : memref<640x128xf32, #tpu.memory_space<vmem_shared>>) target(%dma_start3A_23 : memref<640x128xf32, #tpu.memory_space<hbm>>) target_semaphore(%run_scoped3A : memref<!tpu.dma_semaphore, #tpu.memory_space<semaphore_mem>>)
      %dma_wait3A_26 = arith.constant 0 : i32
      %dma_wait3A_27 = tpu.memref_slice %arg6[%arg0, %mul3A_20, %dma_wait3A_26] : memref<2x10240x128xf32, #tpu.memory_space<hbm>> -> memref<1x640x128xf32, #tpu.memory_space<hbm>>
      %dma_wait3A_28 = tpu.memref_squeeze %dma_wait3A_27 : memref<1x640x128xf32, #tpu.memory_space<hbm>> -> memref<640x128xf32, #tpu.memory_space<hbm>>
      %dma_wait3A_29 = arith.constant 0 : i32
      %dma_wait3A_30 = tpu.memref_slice %arg13[%mul3A_18, %dma_wait3A_29] : memref<10240x128xf32, #tpu.memory_space<vmem_shared>> -> memref<640x128xf32, #tpu.memory_space<vmem_shared>>
      tpu.wait_dma2 semaphore(%run_scoped3A : memref<!tpu.dma_semaphore, #tpu.memory_space<semaphore_mem>>) src(%dma_wait3A_30 : memref<640x128xf32, #tpu.memory_space<vmem_shared>>) dst(%dma_wait3A_28 : memref<640x128xf32, #tpu.memory_space<hbm>>)
      tpu.yield
    }) : () -> ()
    return
  }
}

module attributes {stable_mosaic.version = 14 : i64} {
  func.func @_pre_body(%arg0: i32, %arg1: memref<2x1000x1xf32, #tpu.memory_space<vmem>>, %arg2: memref<1000x128xf32, #tpu.memory_space<vmem>>, %arg3: memref<128x128xf32, #tpu.memory_space<vmem>>, %arg4: memref<1000x1xf32, #tpu.memory_space<vmem>>, %arg5: memref<1000x128xf32, #tpu.memory_space<vmem>>) attributes {dimension_semantics = [#tpu.dimension_semantics<arbitrary>], iteration_bounds = array<i64: 10>, scalar_prefetch = 0 : i64, scratch_operands = 0 : i64, tpu.core_type = #tpu.core_type<tc>, window_params = [{transform_indices = @transform_0, window_bounds = array<i64: 2, 1000, 1>}, {transform_indices = @transform_1, window_bounds = array<i64: 1000, 128>}, {pipeline_mode = #tpu.pipeline_mode<synchronous>, transform_indices = @transform_2, window_bounds = array<i64: 128, 128>}, {transform_indices = @transform_3, window_bounds = array<i64: 1000, 1>}, {transform_indices = @transform_4, window_bounds = array<i64: 1000, 128>}]} {
    %get3A = arith.constant 0 : index
    %get3A_0 = arith.constant 0 : index
    %get3A_1 = arith.constant 0 : index
    %get3A_2 = vector.load %arg1[%get3A, %get3A_0, %get3A_1] : memref<2x1000x1xf32, #tpu.memory_space<vmem>>, vector<1x1000x1xf32>
    %get3A_3 = vector.shape_cast %get3A_2 : vector<1x1000x1xf32> to vector<1000x1xf32>
    %add3A = arith.constant 1.000000e+00 : f32
    %add3A_4 = vector.broadcast %add3A : f32 to vector<1000x1xf32>
    %add3A_5 = arith.addf %add3A_4, %get3A_3 : vector<1000x1xf32>
    %get3A_6 = arith.constant 1 : index
    %get3A_7 = arith.constant 0 : index
    %get3A_8 = arith.constant 0 : index
    %get3A_9 = vector.load %arg1[%get3A_6, %get3A_7, %get3A_8] : memref<2x1000x1xf32, #tpu.memory_space<vmem>>, vector<1x1000x1xf32>
    %get3A_10 = vector.shape_cast %get3A_9 : vector<1x1000x1xf32> to vector<1000x1xf32>
    %add3A_11 = arith.addf %add3A_5, %get3A_10 : vector<1000x1xf32>
    %rsqrt3A = math.rsqrt %add3A_11 : vector<1000x1xf32>
    %swap3A = arith.constant 0 : index
    %swap3A_12 = arith.constant 0 : index
    %swap3A_13 = vector.load %arg4[%swap3A, %swap3A_12] : memref<1000x1xf32, #tpu.memory_space<vmem>>, vector<1000x1xf32>
    tpu.vector_store %arg4[%swap3A, %swap3A_12], %rsqrt3A {strides = array<i32>} : memref<1000x1xf32, #tpu.memory_space<vmem>>, vector<1000x1xf32>,
    %get3A_14 = arith.constant 0 : index
    %get3A_15 = arith.constant 0 : index
    %get3A_16 = vector.load %arg2[%get3A_14, %get3A_15] : memref<1000x128xf32, #tpu.memory_space<vmem>>, vector<1000x128xf32>
    %get3A_17 = arith.constant 0 : index
    %get3A_18 = arith.constant 0 : index
    %get3A_19 = vector.load %arg3[%get3A_17, %get3A_18] : memref<128x128xf32, #tpu.memory_space<vmem>>, vector<128x128xf32>
    %dot_general3A = arith.constant dense<0.000000e+00> : vector<1000x128xf32>
    %dot_general3A_20 = tpu.matmul %get3A_16, %get3A_19, %dot_general3A {dimension_numbers = #tpu.dot_dimension_numbers<[1], [0], [0], [1], [0, 0, 1, 1], [], []>, transpose_lhs_hint = false} : vector<1000x128xf32>, vector<128x128xf32>, vector<1000x128xf32> -> vector<1000x128xf32>
    %mul3A = vector.broadcast %rsqrt3A : vector<1000x1xf32> to vector<1000x128xf32>
    %mul3A_21 = arith.mulf %mul3A, %dot_general3A_20 : vector<1000x128xf32>
    %swap3A_22 = arith.constant 0 : index
    %swap3A_23 = arith.constant 0 : index
    %swap3A_24 = vector.load %arg5[%swap3A_22, %swap3A_23] : memref<1000x128xf32, #tpu.memory_space<vmem>>, vector<1000x128xf32>
    tpu.vector_store %arg5[%swap3A_22, %swap3A_23], %mul3A_21 {strides = array<i32>} : memref<1000x128xf32, #tpu.memory_space<vmem>>, vector<1000x128xf32>,
    return
  }
  func.func @transform_0(%arg0: i32) -> (i32, i32, i32) {
    %c0_i32 = arith.constant 0 : i32
    %c0_i32_0 = arith.constant 0 : i32
    %c0_i32_1 = arith.constant 0 : i32
    return %c0_i32, %arg0, %c0_i32_0 : i32, i32, i32
  }
  func.func @transform_1(%arg0: i32) -> (i32, i32) {
    %c0_i32 = arith.constant 0 : i32
    %c0_i32_0 = arith.constant 0 : i32
    return %arg0, %c0_i32 : i32, i32
  }
  func.func @transform_2(%arg0: i32) -> (i32, i32) {
    %c0_i32 = arith.constant 0 : i32
    %c0_i32_0 = arith.constant 0 : i32
    %c0_i32_1 = arith.constant 0 : i32
    return %c0_i32, %c0_i32_0 : i32, i32
  }
  func.func @transform_3(%arg0: i32) -> (i32, i32) {
    %c0_i32 = arith.constant 0 : i32
    %c0_i32_0 = arith.constant 0 : i32
    return %arg0, %c0_i32 : i32, i32
  }
  func.func @transform_4(%arg0: i32) -> (i32, i32) {
    %c0_i32 = arith.constant 0 : i32
    %c0_i32_0 = arith.constant 0 : i32
    return %arg0, %c0_i32 : i32, i32
  }
}

module attributes {stable_mosaic.version = 14 : i64} {
  func.func @_layer_body(%arg0: i32, %arg1: memref<2x1000x128xf32, #tpu.memory_space<vmem>>, %arg2: memref<1000x128xf32, #tpu.memory_space<vmem>>, %arg3: memref<1000x1xf32, #tpu.memory_space<vmem>>, %arg4: memref<1x128xf32, #tpu.memory_space<vmem>>, %arg5: memref<128x128xf32, #tpu.memory_space<vmem>>, %arg6: memref<1000x128xf32, #tpu.memory_space<vmem>>) attributes {dimension_semantics = [#tpu.dimension_semantics<arbitrary>], iteration_bounds = array<i64: 10>, scalar_prefetch = 0 : i64, scratch_operands = 0 : i64, tpu.core_type = #tpu.core_type<tc>, window_params = [{transform_indices = @transform_0, window_bounds = array<i64: 2, 1000, 128>}, {transform_indices = @transform_1, window_bounds = array<i64: 1000, 128>}, {transform_indices = @transform_2, window_bounds = array<i64: 1000, 1>}, {pipeline_mode = #tpu.pipeline_mode<synchronous>, transform_indices = @transform_3, window_bounds = array<i64: 1, 128>}, {pipeline_mode = #tpu.pipeline_mode<synchronous>, transform_indices = @transform_4, window_bounds = array<i64: 128, 128>}, {transform_indices = @transform_5, window_bounds = array<i64: 1000, 128>}]} {
    %get3A = arith.constant 0 : index
    %get3A_0 = arith.constant 0 : index
    %get3A_1 = arith.constant 0 : index
    %get3A_2 = vector.load %arg1[%get3A, %get3A_0, %get3A_1] : memref<2x1000x128xf32, #tpu.memory_space<vmem>>, vector<1x1000x128xf32>
    %get3A_3 = vector.shape_cast %get3A_2 : vector<1x1000x128xf32> to vector<1000x128xf32>
    %get3A_4 = arith.constant 1 : index
    %get3A_5 = arith.constant 0 : index
    %get3A_6 = arith.constant 0 : index
    %get3A_7 = vector.load %arg1[%get3A_4, %get3A_5, %get3A_6] : memref<2x1000x128xf32, #tpu.memory_space<vmem>>, vector<1x1000x128xf32>
    %get3A_8 = vector.shape_cast %get3A_7 : vector<1x1000x128xf32> to vector<1000x128xf32>
    %add3A = arith.addf %get3A_3, %get3A_8 : vector<1000x128xf32>
    %get3A_9 = arith.constant 0 : index
    %get3A_10 = arith.constant 0 : index
    %get3A_11 = vector.load %arg2[%get3A_9, %get3A_10] : memref<1000x128xf32, #tpu.memory_space<vmem>>, vector<1000x128xf32>
    %add3A_12 = arith.addf %add3A, %get3A_11 : vector<1000x128xf32>
    %get3A_13 = arith.constant 0 : index
    %get3A_14 = arith.constant 0 : index
    %get3A_15 = vector.load %arg3[%get3A_13, %get3A_14] : memref<1000x1xf32, #tpu.memory_space<vmem>>, vector<1000x1xf32>
    %mul3A = vector.broadcast %get3A_15 : vector<1000x1xf32> to vector<1000x128xf32>
    %mul3A_16 = arith.mulf %mul3A, %add3A_12 : vector<1000x128xf32>
    %get3A_17 = arith.constant 0 : index
    %get3A_18 = arith.constant 0 : index
    %get3A_19 = vector.load %arg4[%get3A_17, %get3A_18] : memref<1x128xf32, #tpu.memory_space<vmem>>, vector<1x128xf32>
    %add3A_20 = vector.broadcast %get3A_19 : vector<1x128xf32> to vector<1000x128xf32>
    %add3A_21 = arith.addf %mul3A_16, %add3A_20 : vector<1000x128xf32>
    %max3A = arith.constant 0.000000e+00 : f32
    %max3A_22 = vector.broadcast %max3A : f32 to vector<1000x128xf32>
    %max3A_23 = arith.maximumf %add3A_21, %max3A_22 : vector<1000x128xf32>
    %get3A_24 = arith.constant 0 : index
    %get3A_25 = arith.constant 0 : index
    %get3A_26 = vector.load %arg3[%get3A_24, %get3A_25] : memref<1000x1xf32, #tpu.memory_space<vmem>>, vector<1000x1xf32>
    %get3A_27 = arith.constant 0 : index
    %get3A_28 = arith.constant 0 : index
    %get3A_29 = vector.load %arg5[%get3A_27, %get3A_28] : memref<128x128xf32, #tpu.memory_space<vmem>>, vector<128x128xf32>
    %dot_general3A = arith.constant dense<0.000000e+00> : vector<1000x128xf32>
    %dot_general3A_30 = tpu.matmul %max3A_23, %get3A_29, %dot_general3A {dimension_numbers = #tpu.dot_dimension_numbers<[1], [0], [0], [1], [0, 0, 1, 1], [], []>, transpose_lhs_hint = false} : vector<1000x128xf32>, vector<128x128xf32>, vector<1000x128xf32> -> vector<1000x128xf32>
    %mul3A_31 = vector.broadcast %get3A_26 : vector<1000x1xf32> to vector<1000x128xf32>
    %mul3A_32 = arith.mulf %mul3A_31, %dot_general3A_30 : vector<1000x128xf32>
    %swap3A = arith.constant 0 : index
    %swap3A_33 = arith.constant 0 : index
    %swap3A_34 = vector.load %arg6[%swap3A, %swap3A_33] : memref<1000x128xf32, #tpu.memory_space<vmem>>, vector<1000x128xf32>
    tpu.vector_store %arg6[%swap3A, %swap3A_33], %mul3A_32 {strides = array<i32>} : memref<1000x128xf32, #tpu.memory_space<vmem>>, vector<1000x128xf32>,
    return
  }
  func.func @transform_0(%arg0: i32) -> (i32, i32, i32) {
    %c0_i32 = arith.constant 0 : i32
    %c0_i32_0 = arith.constant 0 : i32
    %c0_i32_1 = arith.constant 0 : i32
    return %c0_i32, %arg0, %c0_i32_0 : i32, i32, i32
  }
  func.func @transform_1(%arg0: i32) -> (i32, i32) {
    %c0_i32 = arith.constant 0 : i32
    %c0_i32_0 = arith.constant 0 : i32
    return %arg0, %c0_i32 : i32, i32
  }
  func.func @transform_2(%arg0: i32) -> (i32, i32) {
    %c0_i32 = arith.constant 0 : i32
    %c0_i32_0 = arith.constant 0 : i32
    return %arg0, %c0_i32 : i32, i32
  }
  func.func @transform_3(%arg0: i32) -> (i32, i32) {
    %c0_i32 = arith.constant 0 : i32
    %c0_i32_0 = arith.constant 0 : i32
    %c0_i32_1 = arith.constant 0 : i32
    return %c0_i32, %c0_i32_0 : i32, i32
  }
  func.func @transform_4(%arg0: i32) -> (i32, i32) {
    %c0_i32 = arith.constant 0 : i32
    %c0_i32_0 = arith.constant 0 : i32
    %c0_i32_1 = arith.constant 0 : i32
    return %c0_i32, %c0_i32_0 : i32, i32
  }
  func.func @transform_5(%arg0: i32) -> (i32, i32) {
    %c0_i32 = arith.constant 0 : i32
    %c0_i32_0 = arith.constant 0 : i32
    return %arg0, %c0_i32 : i32, i32
  }
}

module attributes {stable_mosaic.version = 14 : i64} {
  func.func @_final_body(%arg0: i32, %arg1: memref<2x1000x128xf32, #tpu.memory_space<vmem>>, %arg2: memref<1000x128xf32, #tpu.memory_space<vmem>>, %arg3: memref<1000x1xf32, #tpu.memory_space<vmem>>, %arg4: memref<1x128xf32, #tpu.memory_space<vmem>>, %arg5: memref<128x1xf32, #tpu.memory_space<vmem>>, %arg6: memref<1x1xf32, #tpu.memory_space<vmem>>, %arg7: memref<1000x1xi32, #tpu.memory_space<vmem>>, %arg8: memref<64x1xf32, #tpu.memory_space<vmem>>, %arg9: memref<64x128xf32, #tpu.memory_space<vmem>>, %arg10: memref<64x1xf32, #tpu.memory_space<vmem>>) attributes {dimension_semantics = [#tpu.dimension_semantics<arbitrary>], iteration_bounds = array<i64: 10>, scalar_prefetch = 0 : i64, scratch_operands = 2 : i64, tpu.core_type = #tpu.core_type<tc>, window_params = [{transform_indices = @transform_0, window_bounds = array<i64: 2, 1000, 128>}, {transform_indices = @transform_1, window_bounds = array<i64: 1000, 128>}, {transform_indices = @transform_2, window_bounds = array<i64: 1000, 1>}, {pipeline_mode = #tpu.pipeline_mode<synchronous>, transform_indices = @transform_3, window_bounds = array<i64: 1, 128>}, {pipeline_mode = #tpu.pipeline_mode<synchronous>, transform_indices = @transform_4, window_bounds = array<i64: 128, 1>}, {pipeline_mode = #tpu.pipeline_mode<synchronous>, transform_indices = @transform_5, window_bounds = array<i64: 1, 1>}, {transform_indices = @transform_6, window_bounds = array<i64: 1000, 1>}, {pipeline_mode = #tpu.pipeline_mode<synchronous>, transform_indices = @transform_7, window_bounds = array<i64: 64, 1>}]} {
    %get3A = arith.constant 0 : index
    %get3A_0 = arith.constant 0 : index
    %get3A_1 = arith.constant 0 : index
    %get3A_2 = vector.load %arg1[%get3A, %get3A_0, %get3A_1] : memref<2x1000x128xf32, #tpu.memory_space<vmem>>, vector<1x1000x128xf32>
    %get3A_3 = vector.shape_cast %get3A_2 : vector<1x1000x128xf32> to vector<1000x128xf32>
    %get3A_4 = arith.constant 1 : index
    %get3A_5 = arith.constant 0 : index
    %get3A_6 = arith.constant 0 : index
    %get3A_7 = vector.load %arg1[%get3A_4, %get3A_5, %get3A_6] : memref<2x1000x128xf32, #tpu.memory_space<vmem>>, vector<1x1000x128xf32>
    %get3A_8 = vector.shape_cast %get3A_7 : vector<1x1000x128xf32> to vector<1000x128xf32>
    %add3A = arith.addf %get3A_3, %get3A_8 : vector<1000x128xf32>
    %get3A_9 = arith.constant 0 : index
    %get3A_10 = arith.constant 0 : index
    %get3A_11 = vector.load %arg2[%get3A_9, %get3A_10] : memref<1000x128xf32, #tpu.memory_space<vmem>>, vector<1000x128xf32>
    %add3A_12 = arith.addf %add3A, %get3A_11 : vector<1000x128xf32>
    %get3A_13 = arith.constant 0 : index
    %get3A_14 = arith.constant 0 : index
    %get3A_15 = vector.load %arg3[%get3A_13, %get3A_14] : memref<1000x1xf32, #tpu.memory_space<vmem>>, vector<1000x1xf32>
    %mul3A = vector.broadcast %get3A_15 : vector<1000x1xf32> to vector<1000x128xf32>
    %mul3A_16 = arith.mulf %mul3A, %add3A_12 : vector<1000x128xf32>
    %get3A_17 = arith.constant 0 : index
    %get3A_18 = arith.constant 0 : index
    %get3A_19 = vector.load %arg4[%get3A_17, %get3A_18] : memref<1x128xf32, #tpu.memory_space<vmem>>, vector<1x128xf32>
    %add3A_20 = vector.broadcast %get3A_19 : vector<1x128xf32> to vector<1000x128xf32>
    %add3A_21 = arith.addf %mul3A_16, %add3A_20 : vector<1000x128xf32>
    %max3A = arith.constant 0.000000e+00 : f32
    %max3A_22 = vector.broadcast %max3A : f32 to vector<1000x128xf32>
    %max3A_23 = arith.maximumf %add3A_21, %max3A_22 : vector<1000x128xf32>
    %get3A_24 = arith.constant 0 : index
    %get3A_25 = arith.constant 0 : index
    %get3A_26 = vector.load %arg7[%get3A_24, %get3A_25] : memref<1000x1xi32, #tpu.memory_space<vmem>>, vector<1000x1xi32>
    %iota3A = tpu.iota {dimensions = array<i32: 1>} : vector<1000x64xi32>
    %eq3A = vector.broadcast %get3A_26 : vector<1000x1xi32> to vector<1000x64xi32>
    %eq3A_27 = arith.cmpi eq, %eq3A, %iota3A : vector<1000x64xi32>
    %convert_element_type3A = arith.extui %eq3A_27 : vector<1000x64xi1> to vector<1000x64xi32>
    %convert_element_type3A_28 = arith.sitofp %convert_element_type3A : vector<1000x64xi32> to vector<1000x64xf32>
    %dot_general3A = arith.constant dense<0.000000e+00> : vector<64x128xf32>
    %dot_general3A_29 = tpu.matmul %convert_element_type3A_28, %max3A_23, %dot_general3A {dimension_numbers = #tpu.dot_dimension_numbers<[0], [0], [1], [1], [0, 1, 1, 1], [], []>, precision = #tpu.contract_precision<fp32>, transpose_lhs_hint = false} : vector<1000x64xf32>, vector<1000x128xf32>, vector<64x128xf32> -> vector<64x128xf32>
    %reduce_sum3A = arith.constant dense<0.000000e+00> : vector<64xf32>
    %reduce_sum3A_30 = vector.multi_reduction <add>, %convert_element_type3A_28, %reduce_sum3A [0] : vector<1000x64xf32> to vector<64xf32>
    %broadcast_in_dim3A = vector.shape_cast %reduce_sum3A_30 : vector<64xf32> to vector<1x64xf32>
    %reshape3A = vector.shape_cast %broadcast_in_dim3A : vector<1x64xf32> to vector<64x1xf32>
    %eq3A_31 = arith.constant 0 : i32
    %eq3A_32 = arith.cmpi eq, %arg0, %eq3A_31 : i32
    %convert_element_type3A_33 = arith.extui %eq3A_32 : i1 to i32
    %cond3A = arith.constant 0 : i32
    %cond3A_34 = arith.cmpi ne, %convert_element_type3A_33, %cond3A : i32
    scf.if %cond3A_34 {
      %broadcast_in_dim3A_53 = arith.constant 0.000000e+00 : f32
      %broadcast_in_dim3A_54 = vector.broadcast %broadcast_in_dim3A_53 : f32 to vector<64x128xf32>
      %swap3A_55 = arith.constant 0 : index
      %swap3A_56 = arith.constant 0 : index
      %swap3A_57 = vector.load %arg9[%swap3A_55, %swap3A_56] : memref<64x128xf32, #tpu.memory_space<vmem>>, vector<64x128xf32>
      tpu.vector_store %arg9[%swap3A_55, %swap3A_56], %broadcast_in_dim3A_54 {strides = array<i32>} : memref<64x128xf32, #tpu.memory_space<vmem>>, vector<64x128xf32>,
      %broadcast_in_dim3A_58 = arith.constant 0.000000e+00 : f32
      %broadcast_in_dim3A_59 = vector.broadcast %broadcast_in_dim3A_58 : f32 to vector<64x1xf32>
      %swap3A_60 = arith.constant 0 : index
      %swap3A_61 = arith.constant 0 : index
      %swap3A_62 = vector.load %arg10[%swap3A_60, %swap3A_61] : memref<64x1xf32, #tpu.memory_space<vmem>>, vector<64x1xf32>
      tpu.vector_store %arg10[%swap3A_60, %swap3A_61], %broadcast_in_dim3A_59 {strides = array<i32>} : memref<64x1xf32, #tpu.memory_space<vmem>>, vector<64x1xf32>,
    } else {
    }
    %get3A_35 = arith.constant 0 : index
    %get3A_36 = arith.constant 0 : index
    %get3A_37 = vector.load %arg9[%get3A_35, %get3A_36] : memref<64x128xf32, #tpu.memory_space<vmem>>, vector<64x128xf32>
    %add3A_38 = arith.addf %get3A_37, %dot_general3A_29 : vector<64x128xf32>
    %swap3A = arith.constant 0 : index
    %swap3A_39 = arith.constant 0 : index
    %swap3A_40 = vector.load %arg9[%swap3A, %swap3A_39] : memref<64x128xf32, #tpu.memory_space<vmem>>, vector<64x128xf32>
    tpu.vector_store %arg9[%swap3A, %swap3A_39], %add3A_38 {strides = array<i32>} : memref<64x128xf32, #tpu.memory_space<vmem>>, vector<64x128xf32>,
    %get3A_41 = arith.constant 0 : index
    %get3A_42 = arith.constant 0 : index
    %get3A_43 = vector.load %arg10[%get3A_41, %get3A_42] : memref<64x1xf32, #tpu.memory_space<vmem>>, vector<64x1xf32>
    %add3A_44 = arith.addf %get3A_43, %reshape3A : vector<64x1xf32>
    %swap3A_45 = arith.constant 0 : index
    %swap3A_46 = arith.constant 0 : index
    %swap3A_47 = vector.load %arg10[%swap3A_45, %swap3A_46] : memref<64x1xf32, #tpu.memory_space<vmem>>, vector<64x1xf32>
    tpu.vector_store %arg10[%swap3A_45, %swap3A_46], %add3A_44 {strides = array<i32>} : memref<64x1xf32, #tpu.memory_space<vmem>>, vector<64x1xf32>,
    %eq3A_48 = arith.constant 9 : i32
    %eq3A_49 = arith.cmpi eq, %arg0, %eq3A_48 : i32
    %convert_element_type3A_50 = arith.extui %eq3A_49 : i1 to i32
    %cond3A_51 = arith.constant 0 : i32
    %cond3A_52 = arith.cmpi ne, %convert_element_type3A_50, %cond3A_51 : i32
    scf.if %cond3A_52 {
      %get3A_53 = arith.constant 0 : index
      %get3A_54 = arith.constant 0 : index
      %get3A_55 = vector.load %arg9[%get3A_53, %get3A_54] : memref<64x128xf32, #tpu.memory_space<vmem>>, vector<64x128xf32>
      %get3A_56 = arith.constant 0 : index
      %get3A_57 = arith.constant 0 : index
      %get3A_58 = vector.load %arg10[%get3A_56, %get3A_57] : memref<64x1xf32, #tpu.memory_space<vmem>>, vector<64x1xf32>
      %max3A_59 = arith.constant 1.000000e+00 : f32
      %max3A_60 = vector.broadcast %max3A_59 : f32 to vector<64x1xf32>
      %max3A_61 = arith.maximumf %get3A_58, %max3A_60 : vector<64x1xf32>
      %div3A = vector.broadcast %max3A_61 : vector<64x1xf32> to vector<64x128xf32>
      %div3A_62 = arith.divf %get3A_55, %div3A : vector<64x128xf32>
      %get3A_63 = arith.constant 0 : index
      %get3A_64 = arith.constant 0 : index
      %get3A_65 = vector.load %arg5[%get3A_63, %get3A_64] : memref<128x1xf32, #tpu.memory_space<vmem>>, vector<128x1xf32>
      %dot_general3A_66 = arith.constant dense<0.000000e+00> : vector<64x1xf32>
      %dot_general3A_67 = tpu.matmul %div3A_62, %get3A_65, %dot_general3A_66 {dimension_numbers = #tpu.dot_dimension_numbers<[1], [0], [0], [1], [0, 0, 1, 1], [], []>, transpose_lhs_hint = false} : vector<64x128xf32>, vector<128x1xf32>, vector<64x1xf32> -> vector<64x1xf32>
      %get3A_68 = arith.constant 0 : index
      %get3A_69 = arith.constant 0 : index
      %get3A_70 = vector.load %arg6[%get3A_68, %get3A_69] : memref<1x1xf32, #tpu.memory_space<vmem>>, vector<1x1xf32>
      %add3A_71 = vector.broadcast %get3A_70 : vector<1x1xf32> to vector<64x1xf32>
      %add3A_72 = arith.addf %dot_general3A_67, %add3A_71 : vector<64x1xf32>
      %swap3A_73 = arith.constant 0 : index
      %swap3A_74 = arith.constant 0 : index
      %swap3A_75 = vector.load %arg8[%swap3A_73, %swap3A_74] : memref<64x1xf32, #tpu.memory_space<vmem>>, vector<64x1xf32>
      tpu.vector_store %arg8[%swap3A_73, %swap3A_74], %add3A_72 {strides = array<i32>} : memref<64x1xf32, #tpu.memory_space<vmem>>, vector<64x1xf32>,
    } else {
    }
    return
  }
  func.func @transform_0(%arg0: i32) -> (i32, i32, i32) {
    %c0_i32 = arith.constant 0 : i32
    %c0_i32_0 = arith.constant 0 : i32
    %c0_i32_1 = arith.constant 0 : i32
    return %c0_i32, %arg0, %c0_i32_0 : i32, i32, i32
  }
  func.func @transform_1(%arg0: i32) -> (i32, i32) {
    %c0_i32 = arith.constant 0 : i32
    %c0_i32_0 = arith.constant 0 : i32
    return %arg0, %c0_i32 : i32, i32
  }
  func.func @transform_2(%arg0: i32) -> (i32, i32) {
    %c0_i32 = arith.constant 0 : i32
    %c0_i32_0 = arith.constant 0 : i32
    return %arg0, %c0_i32 : i32, i32
  }
  func.func @transform_3(%arg0: i32) -> (i32, i32) {
    %c0_i32 = arith.constant 0 : i32
    %c0_i32_0 = arith.constant 0 : i32
    %c0_i32_1 = arith.constant 0 : i32
    return %c0_i32, %c0_i32_0 : i32, i32
  }
  func.func @transform_4(%arg0: i32) -> (i32, i32) {
    %c0_i32 = arith.constant 0 : i32
    %c0_i32_0 = arith.constant 0 : i32
    %c0_i32_1 = arith.constant 0 : i32
    return %c0_i32, %c0_i32_0 : i32, i32
  }
  func.func @transform_5(%arg0: i32) -> (i32, i32) {
    %c0_i32 = arith.constant 0 : i32
    %c0_i32_0 = arith.constant 0 : i32
    %c0_i32_1 = arith.constant 0 : i32
    return %c0_i32, %c0_i32_0 : i32, i32
  }
  func.func @transform_6(%arg0: i32) -> (i32, i32) {
    %c0_i32 = arith.constant 0 : i32
    %c0_i32_0 = arith.constant 0 : i32
    return %arg0, %c0_i32 : i32, i32
  }
  func.func @transform_7(%arg0: i32) -> (i32, i32) {
    %c0_i32 = arith.constant 0 : i32
    %c0_i32_0 = arith.constant 0 : i32
    %c0_i32_1 = arith.constant 0 : i32
    return %c0_i32, %c0_i32_0 : i32, i32
  }
}

</mosaic_0001>

<sc_bundles>
// kernel: kernel.10.cloned.1.call-start
scs
__scs_entry_jumppad:
0x0: {  	(pc) =	sbr.rel $0x88, $3  }
0x1: {  	(tag) =	ssettag $0x0;
	lr =	simm.s32 $0x1  }
0x2: {  	[smem:$0x3F96] =	sst lr;
	_ =	strace $0xD0000000  }
0x3: {  	_ = 	snop  }
0x4: {  	_ = 	snop  }
0x5: {  	_ = 	snop  }
0x6: {  	_ = 	snop  }
0x7: {  	_ = 	snop  }
__scs_overlays_trampoline_lowered:
0x8: {  	[smem:$0x3FA5] =	sst s0  }
0x9: {  	[smem:$0x3FA6] =	sst s1  }
0xa: {  	[smem:$0x3FA7] =	sst s2  }
0xb: {  	[smem:$0x3FA8] =	sst s3  }
0xc: {  	[smem:$0x3FA9] =	sst s4  }
0xd: {  	[smem:$0x3FAA] =	sst s5  }
0xe: {  	[smem:$0x3FAB] =	sst s6  }
0xf: {  	[smem:$0x3FAC] =	sst s7  }
0x10: {  	[smem:$0x3FAD] =	sst s8  }
0x11: {  	[smem:$0x3FAE] =	sst s9;
	s0 =	simm.s32 @!p0 $0x0  }
0x12: {  	s1 =	sld [smem:$0x3F94];
	s0 =	simm.s32 @p0 $0x1  }
0x13: {  	[smem:$0x3FAF] =	sst s0;
	s0 =	simm.s32 @!p1 $0x0  }
0x14: {  	s2 =	sld [smem:$0x3F93];
	s0 =	simm.s32 @p1 $0x1  }
0x15: {  	[smem:$0x3FB0] =	sst s0;
	s0 =	simm.s32 @!p2 $0x0  }
0x16: {  	s3 =	sld [smem:$0x3FDB];
	s0 =	simm.s32 @p2 $0x1  }
0x17: {  	s4 =	simm.s32 $0x1BF5;
	[smem:$0x3FB2] =	sst s0  }
0x18: {  	s0 =	sld [smem:$0x3F95];
	_ =	swait.ge [sflag:s4], $0x0  }
0x19: {  	s7 =	sld [smem:$0x3F96]  }
0x1a: {  	s8 =	sadd.s32 $0xFFFFE003, lr  }
0x1b: {  	s9 =	sadd.s32 $0xFFFFFEF7, lr;
	s5 =	simm.s32 $0xFFFFFFFF;
	p2 =	slt.u32 s8, $0xFFFFF086  }
0x1c: {  	p1 =	slt.u32 s9, $0xF7A;
	s5 =	simm.s32 @!p2 $0x0  }
0x1d: {  	s5 =	simm.s32 @p1 $0x1;
	p0 =	seq.s32 s7, s2  }
0x1e: {  	s7 =	smul.u32 @!p0 $0xF7A, s2;
	p2 =	seq.s32 @!p0 s5, $0x0  }
0x1f: {  	s9 =	smul.u32 $0xF7A, s1;
	s8 =	simm.s32 @!p0 $0x1BF5;
	p2 =	por !p2, p0  }
0x20: {  	[sflag:s8] =	ssyncset.s32 @!p0 $0xFFFFF086;
	s6 =	sadd.s32 @!p0 s3, s7;
	s7 =	simm.s32 @!p0 $0x108  }
0x21: {  	s3 =	sadd.s32 s3, s9;
	s6 =	sadd.s32 @!p0 $0x88, s6;
	s7 =	simm.s32 @p2 $0x1082  }
0x22: {  	[simem:s7], [sflag:s8] =	dma.local @!p0 [hbm:s6], $0xF7A  }
0x23: {  	s9 =	sor.u32 $0xD0000000, s2;
	s6 =	simm.s32 $0x108;
	_ =	swait.ge @!p0 [sflag:s8], $0x0  }
0x24: {  	s3 =	sadd.s32 $0x88, s3;
	s6 =	simm.s32 @!p1 $0x1082;
	[sflag:s4] =	ssyncset.s32 $0xFFFFF086  }
0x25: {  	[simem:s6], [sflag:s4] =	dma.local [hbm:s3], $0xF7A  }
0x26: {  	[smem:$0x3F96] =	sst s1;
	(tag) =	ssettag s2;
	_ =	strace s9  }
0x27: {  	s1 =	sld [smem:$0x3FA6]  }
0x28: {  	s2 =	sld [smem:$0x3FA7]  }
0x29: {  	s4 =	sld [smem:$0x3FA9]  }
0x2a: {  	p0 =	seq.s32 s5, $0x0;
	s5 =	sld [smem:$0x3FAA]  }
0x2b: {  	s6 =	sld [smem:$0x3FAB]  }
0x2c: {  	s7 =	sld [smem:$0x3FAC]  }
0x2d: {  	s3 =	simm.s32 $0x108;
	s8 =	sld [smem:$0x3FAD]  }
0x2e: {  	s3 =	simm.s32 @!p0 $0x1082;
	s9 =	sld [smem:$0x3FAE]  }
0x2f: {  	lr =	sadd.s32 s0, s3;
	s0 =	sld [smem:$0x3FA5]  }
0x30: {  	s3 =	sld [smem:$0x3FA8]  }
0x31: {  	[smem:$0x3FB1] =	sst s10  }
0x32: {  	s10 =	sld [smem:$0x3FAF];
	_ =	sdelay $0x3  }
0x33: {  	p0 =	seq.s32 s10, $0x1;
	s10 =	sld [smem:$0x3FB1];
	_ =	sdelay $0x3  }
0x34: {  	[smem:$0x3FB1] =	sst s10  }
0x35: {  	s10 =	sld [smem:$0x3FB0];
	_ =	sdelay $0x3  }
0x36: {  	p1 =	seq.s32 s10, $0x1;
	s10 =	sld [smem:$0x3FB1];
	_ =	sdelay $0x3  }
0x37: {  	[smem:$0x3FB1] =	sst s10  }
0x38: {  	s10 =	sld [smem:$0x3FB2]  }
0x39: {  	_ = 	snop;
	(pc) =	sbr.ind lr, $3  }
0x3a: {  	_ = 	snop  }
0x3b: {  	_ = 	snop  }
0x3c: {  	p2 =	seq.s32 s10, $0x1;
	s10 =	sld [smem:$0x3FB1]  }
0x3d: {  	_ =	shalt  }
0x3e: {  	_ =	shalt  }
0x3f: {  	_ =	shalt  }
0x40: {  	_ =	shalt  }
0x41: {  	_ =	shalt  }
0x42: {  	_ =	shalt  }
0x43: {  	_ =	shalt  }
0x44: {  	_ =	shalt  }
0x45: {  	_ =	shalt  }
0x46: {  	_ =	shalt  }
0x47: {  	_ =	shalt  }
0x48: {  	_ =	shalt  }
0x49: {  	_ =	shalt  }
0x4a: {  	_ =	shalt  }
0x4b: {  	_ =	shalt  }
0x4c: {  	_ =	shalt  }
0x4d: {  	_ =	shalt  }
0x4e: {  	_ =	shalt  }
0x4f: {  	_ =	shalt  }
0x50: {  	_ =	shalt  }
0x51: {  	_ =	shalt  }
0x52: {  	_ =	shalt  }
0x53: {  	_ =	shalt  }
0x54: {  	_ =	shalt  }
0x55: {  	_ =	shalt  }
0x56: {  	_ =	shalt  }
0x57: {  	_ =	shalt  }
0x58: {  	_ =	shalt  }
0x59: {  	_ =	shalt  }
0x5a: {  	_ =	shalt  }
0x5b: {  	_ =	shalt  }
0x5c: {  	_ =	shalt  }
0x5d: {  	_ =	shalt  }
0x5e: {  	_ =	shalt  }
0x5f: {  	_ =	shalt  }
0x60: {  	_ =	shalt  }
0x61: {  	_ =	shalt  }
0x62: {  	_ =	shalt  }
0x63: {  	_ =	shalt  }
0x64: {  	_ =	shalt  }
0x65: {  	_ =	shalt  }
0x66: {  	_ =	shalt  }
0x67: {  	_ =	shalt  }
0x68: {  	_ =	shalt  }
0x69: {  	_ =	shalt  }
0x6a: {  	_ =	shalt  }
0x6b: {  	_ =	shalt  }
0x6c: {  	_ =	shalt  }
0x6d: {  	_ =	shalt  }
0x6e: {  	_ =	shalt  }
0x6f: {  	_ =	shalt  }
0x70: {  	_ =	shalt  }
0x71: {  	_ =	shalt  }
0x72: {  	_ =	shalt  }
0x73: {  	_ =	shalt  }
0x74: {  	_ =	shalt  }
0x75: {  	_ =	shalt  }
0x76: {  	_ =	shalt  }
0x77: {  	_ =	shalt  }
0x78: {  	_ =	shalt  }
0x79: {  	_ =	shalt  }
0x7a: {  	_ =	shalt  }
0x7b: {  	_ =	shalt  }
0x7c: {  	_ =	shalt  }
0x7d: {  	_ =	shalt  }
0x7e: {  	_ =	shalt  }
0x7f: {  	_ =	shalt  }
0x80: {  	_ =	shalt  }
0x81: {  	_ =	shalt  }
0x82: {  	_ =	shalt  }
0x83: {  	_ =	shalt  }
0x84: {  	_ =	shalt  }
0x85: {  	_ =	shalt  }
0x86: {  	_ =	shalt  }
0x87: {  	_ =	shalt  }
.Lfunc_end0:
.L_simem_size_0:
called_computation_lowered:
.L_overlay_start_0:
0x88: {  	s2 =	sld [smem:$0x3FD9]  }
0x89: {  	s3 =	sld [smem:$0x3FFE];
	_ =	sdelay $0x1  }
0x8a: {  	s1 =	srdreg.scid  }
0x8b: {  	s0 =	sand.u32 $0x1, s1  }
0x8c: {  	s16 =	sshll.u32 s0, $0xA;
	s2 =	sadd.s32 s3, s2  }
0x8d: {  	s2 =	sadd.s32 s2, s16  }
0x8e: {  	[smem:$0x3FBD] =	sst s2  }
0x8f: {  	_ = 	snop  }
0x90: {  	(tm) =	ssettm $0x1  }
0x91: {  	s17 =	sld [smem:$0x3FFB];
	_ =	sdelay $0x3  }
0x92: {  	_ =	strace s17  }
0x93: {  	s2 =	sld [smem:$0x3FFC];
	_ =	sdelay $0x3  }
0x94: {  	_ =	strace s2  }
0x95: {  	s2 =	sld [smem:$0x3FFD];
	_ =	sdelay $0x3  }
0x96: {  	_ =	strace s2  }
0x97: {  	_ =	strace $0x8FFFFFFF  }
0x98: {  	s18 =	sld [smem:$0x3FDB];
	_ =	sdelay $0x1  }
0x99: {  	s19 =	simm.s32 $_scs_section_size  }
0x9a: {  	s4 =	simm.s32 $_size__tile_overlayer_lowered;
	s5 =	simm.s32 $_tile_overlayer_lowered  }
0x9b: {  	s22 =	simm.s32 $0x1BFF;
	s21 =	sshll.u32 s5, $0x1;
	s2 =	sadd.s32 s19, s18  }
0x9c: {  	s6 =	simm.s32 $0x0;
	s20 =	sshll.u32 s4, $0x1;
	s4 =	sadd.s32 s21, s2  }
0x9d: {  	[timem:s6], [sflag:s22] =	dma.local [hbm:s4], s20  }
0x9e: {  	_ =	swait.ge [sflag:s22], s20  }
0x9f: {  	s3 =	ssub.s32 $0x0, s20;
	[sflag:s22] =	ssyncset.done $0x0  }
0xa0: {  	[sflag:s22] =	ssyncadd.s32 s3;
	_ =	sdelay $0x1  }
0xa1: {  	s23 =	simm.s32 $0x1B8B  }
0xa2: {  	_ =	swait.ge [sflag:s23], $0x1  }
0xa3: {  	[sflag:s23] =	ssyncset.done $0x0  }
0xa4: {  	s25 =	simm.s32 $0x1B8E;
	s24 =	sld [smem:$0x3FFE];
	[sflag:s23] =	ssyncadd.s32 $0xFFFFFFFF  }
0xa5: {  	s26 =	simm.s32 $execute0_lowered;
	[smem:$0x3FD2] =	sst s25  }
0xa6: {  	s4 =	sshll.u32 s26, $0x1;
	_ =	strace $0x80000046;
	[dreg:$0x1] =	wrdreg $0xFFFFFFFF  }
0xa7: {  	s28 =	simm.s32 $_size_execute0_lowered;
	s2 =	sadd.s32 s2, s4;
	[dreg:$0x0] =	wrdreg $0x0  }
0xa8: {  	s4 =	sshll.u32 s28, $0x1;
	[dreg:$0x2] =	wrdreg s2  }
0xa9: {  	[dreg:$0x3] =	wrdreg s4  }
0xaa: {  	[dreg:$0x4] =	wrdreg $0xC0  }
0xab: {  	_ =	task [dreg:s6], $0x5FFFF  }
0xac: {  	[dreg:$0x1] =	wrdreg $0xFFFFFFFF  }
0xad: {  	[dreg:$0x0] =	wrdreg $0x60  }
0xae: {  	[dreg:$0x2] =	wrdreg s24  }
0xaf: {  	[dreg:$0x3] =	wrdreg $0x1000  }
0xb0: {  	[dreg:$0x4] =	wrdreg $0x9  }
0xb1: {  	_ =	task.clear_ibuf [dreg:s6], $0x5FFFF;
	_ =	strace $0x90000046  }
0xb2: {  	s29 =	simm.s32 $0x9;
	_ =	strace $0x80000048  }
0xb3: {  	_ =	swait.ge [sflag:s29], $0x1  }
0xb4: {  	[sflag:s29] =	ssyncadd.s32 $0xFFFFFFFF  }
0xb5: {  	_ =	strace $0x90000048  }
0xb6: {  	_ =	sfence  }
0xb7: {  	s30 =	sld [smem:$0x0];
	_ =	sdelay $0x2  }
0xb8: {  	s31 =	sshll.u32 s1, $0xD;
	s1 =	sshrl.u32 s1, $0x2  }
0xb9: {  	s3 =	sand.u32 $0x4000, s31;
	s1 =	sadd.s32 s1, s30  }
0xba: {  	s0 =	sor.u32 s3, s0;
	s1 =	sshll.u32 s1, $0x11  }
0xbb: {  	s0 =	sor.u32 s1, s0  }
0xbc: {  	s0 =	sadd.s32 $0x8F2B, s0  }
0xbd: {  	[sflag:s0] =	ssyncadd.remote.s32 $0x1  }
0xbe: {  	_ =	sfence.sel $0xFFFF  }
0xbf: {  	[dreg:$0x0] =	wrdreg $0xFFFFFFFF;
	(pc) =	sbr.abs _section_cstart, $3  }
0xc0: {  	[dreg:$0x1] =	wrdreg $0xFFFFFFFF  }
0xc1: {  	_ =	task.clear_ibuf [dreg:s6], $0x2FFFF;
	_ =	strace $0x9FFFFFFF  }
0xc2: {  	(tm) =	ssettm $0x7FFFFFFF  }
0xc3: {  	_ =	shalt  }
tec
execute0_lowered:
.L_overlay_start_1:
0x0: {  	(tag) =	ssettag $0x1  }
0x1: {  	s5 =	rddreg [dreg:$0x0];
	s0 =	srdreg.scid  }
0x2: {  	s2 =	rddreg [dreg:$0x1];
	s1 =	stileid.u32;
	s3 =	simm.s32 $0x0  }
0x3: {  	s12 =	simm.s32 $0x20;
	s13 =	simm.s32 $0x10;
	s14 =	simm.s32 $0x0  }
0x4: {  	s4 =	sand.u32 $0x1, s0;
	s0 =	rddreg [dreg:$0x2];
	s7 =	smul.u32 $0x500, s1  }
0x5: {  	[smem:$0x7FF] =	sst s3;
	s10 =	smul.u32 $0xA00, s1;
	s30 =	sshll.u32 s1, $0x6  }
0x6: {  	s6 =	smul.u32 $0x5000, s4;
	s8 =	sshll.u32 s4, $0x7;
	_ =	strace $0x80000047  }
0x7: {  	s9 =	ssub.s32 $0x2, s4;
	s4 =	sadd.s32 $0x20C00, s5;
	s8 =	sor.u32 s8, s7  }
0x8: {  	s28 =	sshrl.u32 s9, $0x1;
	s29 =	sshrl.u32 s10, $0x2;
	s10 =	simm.s32 $0x1  }
0x9: {  	s6 =	sadd.s32 s6, s5;
	s8 =	sshrl.u32 s8, $0x3;
	s9 =	ssub.s32 s9, s28  }
0xa: {  	s11 =	sadd.s32 s29, s2;
	s8 =	sadd.s32 s8, s5;
	s5 =	sor.u32 $0x1C01, s30  }
0xb: {  	s31 =	sadd.s32 s7, s6;
	s7 =	smax.u32 s9, $0x1;
	s9 =	sshrl.u32 s11, $0x3  }
0xc: {  	v0 =	vimm.f32 $1.000000000e+00;
	s11 =	simm.s32 $0x80;
	s6 =	sadd.s32 $0x20E00, s8;
	s8 =	sadd.s32 $0x16C00, s31  }
.LBB2_1:
0xd: {  	[tilespmem:$0x80] =	vst v0  }
0xe: {  	[tilespmem:$0x90] =	vst v0  }
0xf: {  	[tilespmem:$0xA0] =	vst v0  }
0x10: {  	[tilespmem:$0xB0] =	vst v0  }
0x11: {  	[tilespmem:$0xC0] =	vst v0  }
0x12: {  	[tilespmem:$0xD0] =	vst v0  }
0x13: {  	[tilespmem:$0xE0] =	vst v0  }
0x14: {  	[tilespmem:$0xF0] =	vst v0  }
0x15: {  	[spmem:s9], [sflag:s5] =	dma.local [hbm:s4], $0x50  }
0x16: {  	_ =	swait.ge [sflag:s10], $0x50  }
0x17: {  	[sflag:s10] =	ssyncset.done $0x0  }
0x18: {  	[sflag:s10] =	ssyncadd.s32 $0xFFFFFFB0  }
0x19: {  	s15 =	sadd.s32 $0x0, s8;
	[bflag:$0x0] =	sbarrier.arrive $0xFFFF  }
0x1a: {  	[tilespmem:s3], [sflag:$0x1] =	stream.linear.gather [hbm4b:s15+s3], $0x80, $0x38;
	[tilespmem:$0x380] =	vst v63  }
0x1b: {  	_ =	swait.ge [sflag:s10], $0x80  }
0x1c: {  	[sflag:s10] =	ssyncset.done $0x0  }
0x1d: {  	[sflag:s10] =	ssyncadd.s32 $0xFFFFFF80  }
0x1e: {  	[spmem:s2] =	stream.indirect.scatter.add.f32 [tilespmem:s11], [sflag:$0x1], $0x1, s3, s11, $0xb8;
	[tilespmem:$0x380] =	vst v63  }
0x1f: {  	_ =	swait.ge [sflag:s10], $0x80  }
0x20: {  	s16 =	simm.s32 $0x20;
	s15 =	simm.s32 $0x10;
	[sflag:s10] =	ssyncset.done $0x0  }
.LBB2_2:
0x21: {  	s17 =	sadd.s32 s15, s8  }
0x22: {  	[sflag:s10] =	ssyncadd.s32 $0xFFFFFF80;
	s15 =	smov.u32 s16;
	s18 =	sadd.s32 $0x10, s16  }
0x23: {  	[tilespmem:s3], [sflag:$0x1] =	stream.linear.gather [hbm4b:s17+s3], $0x80, $0x38;
	[tilespmem:$0x380] =	vst v63  }
0x24: {  	p0 =	sne.s32 s16, $0x4F0;
	_ =	swait.ge [sflag:s10], $0x80  }
.Ltmp0:
0x25: {  	[sflag:s10] =	ssyncset.done $0x0;
	(pc) =	sbr.rel @p0 .LBB2_2-.Ltmp0, $4  }
0x26: {  	[sflag:s10] =	ssyncadd.s32 $0xFFFFFF80  }
0x27: {  	[spmem:s2] =	stream.indirect.scatter.add.f32 [tilespmem:s11], [sflag:$0x1], $0x1, s3, s11, $0xb8;
	[tilespmem:$0x380] =	vst v63  }
0x28: {  	_ =	swait.ge [sflag:s10], $0x80  }
0x29: {  	s16 =	smov.u32 s18;
	[sflag:s10] =	ssyncset.done $0x0  }
0x2a: {  	s15 =	sadd.s32 s15, s8;
	[sflag:s10] =	ssyncadd.s32 $0xFFFFFF80  }
0x2b: {  	[tilespmem:s3], [sflag:$0x1] =	stream.linear.gather [hbm4b:s15+s3], $0x80, $0x38;
	[tilespmem:$0x380] =	vst v63  }
0x2c: {  	_ =	swait.ge [sflag:s10], $0x80  }
0x2d: {  	[sflag:s10] =	ssyncset.done $0x0  }
0x2e: {  	[sflag:s10] =	ssyncadd.s32 $0xFFFFFF80  }
0x2f: {  	[spmem:s2] =	stream.indirect.scatter.add.f32 [tilespmem:s11], [sflag:$0x1], $0x1, s3, s11, $0xb8;
	[tilespmem:$0x380] =	vst v63  }
0x30: {  	_ =	swait.ge [sflag:s10], $0x80  }
0x31: {  	s14 =	sadd.s32 $0x1, s14;
	[sflag:s10] =	ssyncset.done $0x0  }
0x32: {  	p0 =	sne.s32 s14, s7;
	[sflag:s10] =	ssyncadd.s32 $0xFFFFFF80  }
.Ltmp1:
0x33: {  	[bflag:$0x0] =	sbarrier.arrive $0xFFFF;
	(pc) =	sbr.rel @p0 .LBB2_1-.Ltmp1, $4  }
0x34: {  	[hbm:s6@s12], [sflag:s5] =	dma.strided [spmem:s9@s13], $0x50, s10, $0x10   }
0x35: {  	_ =	swait.ge [sflag:s10], $0x50  }
0x36: {  	[sflag:s10] =	ssyncset.done $0x0  }
0x37: {  	[sflag:s10] =	ssyncadd.s32 $0xFFFFFFB0  }
0x38: {  	_ =	sfence.sel $0x180000  }
0x39: {  	[bflag:$0x0] =	sbarrier.arrive $0xFFFF  }
0x3a: {  	p0 =	sne.s32 s1, $0x0;
	_ =	strace $0x90000047  }
0x3b: {  	s0 =	sadd.s32 @!p0 $0x100000, s0;
	[bflag:$0x2] =	sbarrier.arrive $0xFFFF  }
0x3c: {  	[sflag:s0] =	ssyncadd.tile.s32 @!p0 $0x1;
	_ =	shalt  }
.Lfunc_end2:
_tile_overlayer_lowered:
.L_overlay_start_2:
0x3d: {  	(tag) =	ssettag $0x2  }
0x3e: {  	s0 =	rddreg [dreg:$0x0];
	s2 =	stileid.u32  }
0x3f: {  	s1 =	rddreg [dreg:$0x1];
	p0 =	sne.s32 s2, $0x0  }
0x40: {  	s3 =	rddreg [dreg:$0x2];
	[bflag:$0x3] =	sbarrier.arrive $0xFFFF;
	s2 =	simm.s32 @!p0 $0x1C01  }
0x41: {  	[timem:s3], [sflag:s2] =	dma.local @!p0 [hbm:s0], s1  }
0x42: {  	s0 =	simm.s32 @!p0 $0x1  }
0x43: {  	_ =	swait.ge @!p0 [sflag:s0], s1  }
0x44: {  	s1 =	ssub.s32 @!p0 $0x0, s1;
	[sflag:s0] =	ssyncset.done @!p0 $0x0  }
0x45: {  	[sflag:s0] =	ssyncadd.s32 @!p0 s1  }
0x46: {  	[bflag:$0x3] =	sbarrier.arrive $0xFFFF  }
0x47: {  	_ =	shalt  }

// kernel: kernel.13.cloned.1.call-start
scs
__scs_entry_jumppad:
0x0: {  	(pc) =	sbr.rel $0x88, $3  }
0x1: {  	(tag) =	ssettag $0x0;
	lr =	simm.s32 $0x1  }
0x2: {  	[smem:$0x3F96] =	sst lr;
	_ =	strace $0xD0000000  }
0x3: {  	_ = 	snop  }
0x4: {  	_ = 	snop  }
0x5: {  	_ = 	snop  }
0x6: {  	_ = 	snop  }
0x7: {  	_ = 	snop  }
__scs_overlays_trampoline_lowered:
0x8: {  	[smem:$0x3FA5] =	sst s0  }
0x9: {  	[smem:$0x3FA6] =	sst s1  }
0xa: {  	[smem:$0x3FA7] =	sst s2  }
0xb: {  	[smem:$0x3FA8] =	sst s3  }
0xc: {  	[smem:$0x3FA9] =	sst s4  }
0xd: {  	[smem:$0x3FAA] =	sst s5  }
0xe: {  	[smem:$0x3FAB] =	sst s6  }
0xf: {  	[smem:$0x3FAC] =	sst s7  }
0x10: {  	[smem:$0x3FAD] =	sst s8  }
0x11: {  	[smem:$0x3FAE] =	sst s9;
	s0 =	simm.s32 @!p0 $0x0  }
0x12: {  	s1 =	sld [smem:$0x3F94];
	s0 =	simm.s32 @p0 $0x1  }
0x13: {  	[smem:$0x3FAF] =	sst s0;
	s0 =	simm.s32 @!p1 $0x0  }
0x14: {  	s2 =	sld [smem:$0x3F93];
	s0 =	simm.s32 @p1 $0x1  }
0x15: {  	[smem:$0x3FB0] =	sst s0;
	s0 =	simm.s32 @!p2 $0x0  }
0x16: {  	s3 =	sld [smem:$0x3FDB];
	s0 =	simm.s32 @p2 $0x1  }
0x17: {  	s4 =	simm.s32 $0x1BF5;
	[smem:$0x3FB2] =	sst s0  }
0x18: {  	s0 =	sld [smem:$0x3F95];
	_ =	swait.ge [sflag:s4], $0x0  }
0x19: {  	s7 =	sld [smem:$0x3F96]  }
0x1a: {  	s8 =	sadd.s32 $0xFFFFE003, lr  }
0x1b: {  	s9 =	sadd.s32 $0xFFFFFEF7, lr;
	s5 =	simm.s32 $0xFFFFFFFF;
	p2 =	slt.u32 s8, $0xFFFFF086  }
0x1c: {  	p1 =	slt.u32 s9, $0xF7A;
	s5 =	simm.s32 @!p2 $0x0  }
0x1d: {  	s5 =	simm.s32 @p1 $0x1;
	p0 =	seq.s32 s7, s2  }
0x1e: {  	s7 =	smul.u32 @!p0 $0xF7A, s2;
	p2 =	seq.s32 @!p0 s5, $0x0  }
0x1f: {  	s9 =	smul.u32 $0xF7A, s1;
	s8 =	simm.s32 @!p0 $0x1BF5;
	p2 =	por !p2, p0  }
0x20: {  	[sflag:s8] =	ssyncset.s32 @!p0 $0xFFFFF086;
	s6 =	sadd.s32 @!p0 s3, s7;
	s7 =	simm.s32 @!p0 $0x108  }
0x21: {  	s3 =	sadd.s32 s3, s9;
	s6 =	sadd.s32 @!p0 $0x88, s6;
	s7 =	simm.s32 @p2 $0x1082  }
0x22: {  	[simem:s7], [sflag:s8] =	dma.local @!p0 [hbm:s6], $0xF7A  }
0x23: {  	s9 =	sor.u32 $0xD0000000, s2;
	s6 =	simm.s32 $0x108;
	_ =	swait.ge @!p0 [sflag:s8], $0x0  }
0x24: {  	s3 =	sadd.s32 $0x88, s3;
	s6 =	simm.s32 @!p1 $0x1082;
	[sflag:s4] =	ssyncset.s32 $0xFFFFF086  }
0x25: {  	[simem:s6], [sflag:s4] =	dma.local [hbm:s3], $0xF7A  }
0x26: {  	[smem:$0x3F96] =	sst s1;
	(tag) =	ssettag s2;
	_ =	strace s9  }
0x27: {  	s1 =	sld [smem:$0x3FA6]  }
0x28: {  	s2 =	sld [smem:$0x3FA7]  }
0x29: {  	s4 =	sld [smem:$0x3FA9]  }
0x2a: {  	p0 =	seq.s32 s5, $0x0;
	s5 =	sld [smem:$0x3FAA]  }
0x2b: {  	s6 =	sld [smem:$0x3FAB]  }
0x2c: {  	s7 =	sld [smem:$0x3FAC]  }
0x2d: {  	s3 =	simm.s32 $0x108;
	s8 =	sld [smem:$0x3FAD]  }
0x2e: {  	s3 =	simm.s32 @!p0 $0x1082;
	s9 =	sld [smem:$0x3FAE]  }
0x2f: {  	lr =	sadd.s32 s0, s3;
	s0 =	sld [smem:$0x3FA5]  }
0x30: {  	s3 =	sld [smem:$0x3FA8]  }
0x31: {  	[smem:$0x3FB1] =	sst s10  }
0x32: {  	s10 =	sld [smem:$0x3FAF];
	_ =	sdelay $0x3  }
0x33: {  	p0 =	seq.s32 s10, $0x1;
	s10 =	sld [smem:$0x3FB1];
	_ =	sdelay $0x3  }
0x34: {  	[smem:$0x3FB1] =	sst s10  }
0x35: {  	s10 =	sld [smem:$0x3FB0];
	_ =	sdelay $0x3  }
0x36: {  	p1 =	seq.s32 s10, $0x1;
	s10 =	sld [smem:$0x3FB1];
	_ =	sdelay $0x3  }
0x37: {  	[smem:$0x3FB1] =	sst s10  }
0x38: {  	s10 =	sld [smem:$0x3FB2]  }
0x39: {  	_ = 	snop;
	(pc) =	sbr.ind lr, $3  }
0x3a: {  	_ = 	snop  }
0x3b: {  	_ = 	snop  }
0x3c: {  	p2 =	seq.s32 s10, $0x1;
	s10 =	sld [smem:$0x3FB1]  }
0x3d: {  	_ =	shalt  }
0x3e: {  	_ =	shalt  }
0x3f: {  	_ =	shalt  }
0x40: {  	_ =	shalt  }
0x41: {  	_ =	shalt  }
0x42: {  	_ =	shalt  }
0x43: {  	_ =	shalt  }
0x44: {  	_ =	shalt  }
0x45: {  	_ =	shalt  }
0x46: {  	_ =	shalt  }
0x47: {  	_ =	shalt  }
0x48: {  	_ =	shalt  }
0x49: {  	_ =	shalt  }
0x4a: {  	_ =	shalt  }
0x4b: {  	_ =	shalt  }
0x4c: {  	_ =	shalt  }
0x4d: {  	_ =	shalt  }
0x4e: {  	_ =	shalt  }
0x4f: {  	_ =	shalt  }
0x50: {  	_ =	shalt  }
0x51: {  	_ =	shalt  }
0x52: {  	_ =	shalt  }
0x53: {  	_ =	shalt  }
0x54: {  	_ =	shalt  }
0x55: {  	_ =	shalt  }
0x56: {  	_ =	shalt  }
0x57: {  	_ =	shalt  }
0x58: {  	_ =	shalt  }
0x59: {  	_ =	shalt  }
0x5a: {  	_ =	shalt  }
0x5b: {  	_ =	shalt  }
0x5c: {  	_ =	shalt  }
0x5d: {  	_ =	shalt  }
0x5e: {  	_ =	shalt  }
0x5f: {  	_ =	shalt  }
0x60: {  	_ =	shalt  }
0x61: {  	_ =	shalt  }
0x62: {  	_ =	shalt  }
0x63: {  	_ =	shalt  }
0x64: {  	_ =	shalt  }
0x65: {  	_ =	shalt  }
0x66: {  	_ =	shalt  }
0x67: {  	_ =	shalt  }
0x68: {  	_ =	shalt  }
0x69: {  	_ =	shalt  }
0x6a: {  	_ =	shalt  }
0x6b: {  	_ =	shalt  }
0x6c: {  	_ =	shalt  }
0x6d: {  	_ =	shalt  }
0x6e: {  	_ =	shalt  }
0x6f: {  	_ =	shalt  }
0x70: {  	_ =	shalt  }
0x71: {  	_ =	shalt  }
0x72: {  	_ =	shalt  }
0x73: {  	_ =	shalt  }
0x74: {  	_ =	shalt  }
0x75: {  	_ =	shalt  }
0x76: {  	_ =	shalt  }
0x77: {  	_ =	shalt  }
0x78: {  	_ =	shalt  }
0x79: {  	_ =	shalt  }
0x7a: {  	_ =	shalt  }
0x7b: {  	_ =	shalt  }
0x7c: {  	_ =	shalt  }
0x7d: {  	_ =	shalt  }
0x7e: {  	_ =	shalt  }
0x7f: {  	_ =	shalt  }
0x80: {  	_ =	shalt  }
0x81: {  	_ =	shalt  }
0x82: {  	_ =	shalt  }
0x83: {  	_ =	shalt  }
0x84: {  	_ =	shalt  }
0x85: {  	_ =	shalt  }
0x86: {  	_ =	shalt  }
0x87: {  	_ =	shalt  }
.Lfunc_end0:
.L_simem_size_0:
called_computation.1_lowered:
.L_overlay_start_0:
0x88: {  	s2 =	sld [smem:$0x3FD9]  }
0x89: {  	s3 =	sld [smem:$0x3FFE];
	_ =	sdelay $0x1  }
0x8a: {  	s1 =	srdreg.scid  }
0x8b: {  	s0 =	sand.u32 $0x1, s1  }
0x8c: {  	s16 =	sshll.u32 s0, $0xA;
	s2 =	sadd.s32 s3, s2  }
0x8d: {  	s2 =	sadd.s32 s2, s16  }
0x8e: {  	[smem:$0x3FBD] =	sst s2  }
0x8f: {  	_ = 	snop  }
0x90: {  	(tm) =	ssettm $0x1  }
0x91: {  	s17 =	sld [smem:$0x3FFB];
	_ =	sdelay $0x3  }
0x92: {  	_ =	strace s17  }
0x93: {  	s2 =	sld [smem:$0x3FFC];
	_ =	sdelay $0x3  }
0x94: {  	_ =	strace s2  }
0x95: {  	s2 =	sld [smem:$0x3FFD];
	_ =	sdelay $0x3  }
0x96: {  	_ =	strace s2  }
0x97: {  	_ =	strace $0x8FFFFFFF  }
0x98: {  	s18 =	sld [smem:$0x3FDB];
	_ =	sdelay $0x1  }
0x99: {  	s19 =	simm.s32 $_scs_section_size  }
0x9a: {  	s4 =	simm.s32 $_size__tile_overlayer_lowered;
	s5 =	simm.s32 $_tile_overlayer_lowered  }
0x9b: {  	s22 =	simm.s32 $0x1BFF;
	s21 =	sshll.u32 s5, $0x1;
	s2 =	sadd.s32 s19, s18  }
0x9c: {  	s6 =	simm.s32 $0x0;
	s20 =	sshll.u32 s4, $0x1;
	s4 =	sadd.s32 s21, s2  }
0x9d: {  	[timem:s6], [sflag:s22] =	dma.local [hbm:s4], s20  }
0x9e: {  	_ =	swait.ge [sflag:s22], s20  }
0x9f: {  	s3 =	ssub.s32 $0x0, s20;
	[sflag:s22] =	ssyncset.done $0x0  }
0xa0: {  	[sflag:s22] =	ssyncadd.s32 s3;
	_ =	sdelay $0x1  }
0xa1: {  	s23 =	simm.s32 $0x1B8B  }
0xa2: {  	_ =	swait.ge [sflag:s23], $0x1  }
0xa3: {  	[sflag:s23] =	ssyncset.done $0x0  }
0xa4: {  	s25 =	simm.s32 $0x1B8E;
	s24 =	sld [smem:$0x3FFE];
	[sflag:s23] =	ssyncadd.s32 $0xFFFFFFFF  }
0xa5: {  	s26 =	simm.s32 $execute0_lowered;
	[smem:$0x3FD2] =	sst s25  }
0xa6: {  	s4 =	sshll.u32 s26, $0x1;
	_ =	strace $0x80000049;
	[dreg:$0x1] =	wrdreg $0xFFFFFFFF  }
0xa7: {  	s28 =	simm.s32 $_size_execute0_lowered;
	s2 =	sadd.s32 s2, s4;
	[dreg:$0x0] =	wrdreg $0x0  }
0xa8: {  	s4 =	sshll.u32 s28, $0x1;
	[dreg:$0x2] =	wrdreg s2  }
0xa9: {  	[dreg:$0x3] =	wrdreg s4  }
0xaa: {  	[dreg:$0x4] =	wrdreg $0xC0  }
0xab: {  	_ =	task [dreg:s6], $0x5FFFF  }
0xac: {  	[dreg:$0x1] =	wrdreg $0xFFFFFFFF  }
0xad: {  	[dreg:$0x0] =	wrdreg $0x60  }
0xae: {  	[dreg:$0x2] =	wrdreg s24  }
0xaf: {  	[dreg:$0x3] =	wrdreg $0x4A000  }
0xb0: {  	[dreg:$0x4] =	wrdreg $0x9  }
0xb1: {  	_ =	task.clear_ibuf [dreg:s6], $0x5FFFF;
	_ =	strace $0x90000049  }
0xb2: {  	s29 =	simm.s32 $0x9;
	_ =	strace $0x8000004B  }
0xb3: {  	_ =	swait.ge [sflag:s29], $0x1  }
0xb4: {  	[sflag:s29] =	ssyncadd.s32 $0xFFFFFFFF  }
0xb5: {  	_ =	strace $0x9000004B  }
0xb6: {  	_ =	sfence  }
0xb7: {  	s30 =	sld [smem:$0x0];
	_ =	sdelay $0x2  }
0xb8: {  	s31 =	sshll.u32 s1, $0xD;
	s1 =	sshrl.u32 s1, $0x2  }
0xb9: {  	s3 =	sand.u32 $0x4000, s31;
	s1 =	sadd.s32 s1, s30  }
0xba: {  	s0 =	sor.u32 s3, s0;
	s1 =	sshll.u32 s1, $0x11  }
0xbb: {  	s0 =	sor.u32 s1, s0  }
0xbc: {  	s0 =	sadd.s32 $0x8F2B, s0  }
0xbd: {  	[sflag:s0] =	ssyncadd.remote.s32 $0x1  }
0xbe: {  	_ =	sfence.sel $0xFFFF  }
0xbf: {  	[dreg:$0x0] =	wrdreg $0xFFFFFFFF;
	(pc) =	sbr.abs _section_cstart, $3  }
0xc0: {  	[dreg:$0x1] =	wrdreg $0xFFFFFFFF  }
0xc1: {  	_ =	task.clear_ibuf [dreg:s6], $0x2FFFF;
	_ =	strace $0x9FFFFFFF  }
0xc2: {  	(tm) =	ssettm $0x7FFFFFFF  }
0xc3: {  	_ =	shalt  }
tec
execute0_lowered:
.L_overlay_start_1:
0x0: {  	(tag) =	ssettag $0x1  }
0x1: {  	s6 =	rddreg [dreg:$0x0]  }
0x2: {  	s1 =	rddreg [dreg:$0x1];
	s2 =	srdreg.scid  }
0x3: {  	s0 =	rddreg [dreg:$0x2];
	s3 =	simm.s32 $0x0;
	s16 =	simm.s32 $0x200  }
0x4: {  	s17 =	simm.s32 $0x1;
	s18 =	simm.s32 $0x100;
	s19 =	simm.s32 $0x180  }
0x5: {  	s20 =	simm.s32 $0x10;
	s21 =	simm.s32 $0x4200;
	s7 =	sand.u32 $0x1, s2  }
0x6: {  	s22 =	simm.s32 $0x0;
	s2 =	stileid.u32;
	s5 =	smul.u32 $0x140000, s7  }
0x7: {  	[smem:$0x7FF] =	sst s3;
	s4 =	sadd.s32 $0x16C00, s6;
	s8 =	smul.u32 $0x14000, s2  }
0x8: {  	s12 =	sadd.s32 $0x3000, s6;
	s11 =	sadd.s32 $0xCE00, s6;
	s13 =	smul.u32 $0x50000, s2  }
0x9: {  	_ =	strace $0x8000004A;
	s9 =	sshll.u32 s7, $0x4;
	s29 =	smul.u32 $0x27100, s7  }
0xa: {  	s10 =	ssub.s32 $0x2, s7;
	s30 =	sshll.u32 s2, $0x6;
	s31 =	smul.u32 $0x2710, s2  }
0xb: {  	s9 =	sor.u32 s2, s9;
	s25 =	sshrl.u32 s10, $0x1;
	s8 =	sadd.s32 s8, s5  }
0xc: {  	s5 =	sadd.s32 $0x3DE00, s6;
	s26 =	smul.u32 $0x2710, s9;
	s10 =	ssub.s32 s10, s25  }
0xd: {  	s28 =	sshrl.u32 s13, $0x2;
	s13 =	sadd.s32 s31, s29;
	s8 =	sshrl.u32 s8, $0x3  }
0xe: {  	s15 =	sadd.s32 s28, s1;
	s10 =	smax.u32 s10, $0x1;
	s13 =	sshrl.u32 s13, $0x3  }
0xf: {  	s14 =	sadd.s32 s8, s6;
	s8 =	sshrl.u32 s26, $0x3;
	s6 =	sor.u32 $0x1C02, s30  }
0x10: {  	s8 =	sadd.s32 $0x4E0, s8;
	s9 =	sadd.s32 $0x40600, s14;
	s14 =	simm.s32 $0x2  }
0x11: {  	s7 =	sadd.s32 s12, s8;
	s8 =	sadd.s32 s11, s8;
	s11 =	sadd.s32 s13, s11  }
0x12: {  	s12 =	sadd.s32 s13, s12;
	s13 =	sshrl.u32 s15, $0x3;
	s15 =	simm.s32 $0x80  }
.LBB2_1:
0x13: {  	[spmem:s13], [sflag:s6] =	dma.local [hbm:s5], $0x2800  }
0x14: {  	_ =	swait.ge [sflag:s14], $0x2800  }
0x15: {  	[sflag:s14] =	ssyncset.done $0x0  }
0x16: {  	[sflag:s14] =	ssyncadd.s32 $0xFFFFD800  }
0x17: {  	s23 =	sadd.s32 $0x0, s12;
	[bflag:$0x0] =	sbarrier.arrive $0xFFFF  }
0x18: {  	[tilespmem:s3], [sflag:$0x2] =	stream.linear.gather [hbm4b:s23+s3], $0x80, $0x38;
	[tilespmem:$0x18A00] =	vst v63  }
0x19: {  	_ =	swait.ge [sflag:s14], $0x80  }
0x1a: {  	[sflag:s14] =	ssyncset.done $0x0  }
0x1b: {  	s31 =	sadd.s32 $0x0, s11;
	[sflag:s14] =	ssyncadd.s32 $0xFFFFFF80  }
0x1c: {  	[tilespmem:s15], [sflag:$0x2] =	stream.linear.gather [hbm4b:s31+s3], $0x80, $0x38;
	[tilespmem:$0x18A00] =	vst v63  }
0x1d: {  	_ =	swait.ge [sflag:s14], $0x80  }
0x1e: {  	[sflag:s14] =	ssyncset.done $0x0  }
0x1f: {  	[sflag:s14] =	ssyncadd.s32 $0xFFFFFF80  }
0x20: {  	[tilespmem:s16], [sflag:$0x1] =	stream.indirect.gather [hbm4b:s4+s15], $0x80, s3, s15, $0xb8;
	[tilespmem:$0x18A00] =	vst v63  }
0x21: {  	_ =	swait.ge [sflag:s17], $0x4000  }
0x22: {  	[sflag:s17] =	ssyncset.done $0x0  }
0x23: {  	[sflag:s17] =	ssyncadd.s32 $0xFFFFC000  }
0x24: {  	[spmem:s1] =	stream.indirect.scatter.add.f32 [tilespmem:s16], [sflag:$0x2], $0x80, s15, s15, $0xb8;
	[tilespmem:$0x18A00] =	vst v63  }
0x25: {  	_ =	swait.ge [sflag:s14], $0x4000  }
0x26: {  	s24 =	simm.s32 $0x20;
	s23 =	simm.s32 $0x10;
	[sflag:s14] =	ssyncset.done $0x0  }
.LBB2_2:
0x27: {  	s25 =	sadd.s32 s23, s12  }
0x28: {  	[sflag:s14] =	ssyncadd.s32 $0xFFFFC000;
	s26 =	smov.u32 s24;
	s28 =	sadd.s32 $0x10, s24  }
0x29: {  	[tilespmem:s3], [sflag:$0x2] =	stream.linear.gather [hbm4b:s25+s3], $0x80, $0x38;
	[tilespmem:$0x18A00] =	vst v63  }
0x2a: {  	p0 =	sne.s32 s24, $0x4D0;
	_ =	swait.ge [sflag:s14], $0x80  }
0x2b: {  	[sflag:s14] =	ssyncset.done $0x0  }
0x2c: {  	s24 =	sadd.s32 s23, s11;
	s23 =	smov.u32 s26;
	[sflag:s14] =	ssyncadd.s32 $0xFFFFFF80  }
0x2d: {  	[tilespmem:s15], [sflag:$0x2] =	stream.linear.gather [hbm4b:s24+s3], $0x80, $0x38;
	[tilespmem:$0x18A00] =	vst v63  }
0x2e: {  	_ =	swait.ge [sflag:s14], $0x80  }
0x2f: {  	[sflag:s14] =	ssyncset.done $0x0  }
0x30: {  	[sflag:s14] =	ssyncadd.s32 $0xFFFFFF80  }
0x31: {  	[tilespmem:s16], [sflag:$0x1] =	stream.indirect.gather [hbm4b:s4+s15], $0x80, s3, s15, $0xb8;
	[tilespmem:$0x18A00] =	vst v63  }
0x32: {  	_ =	swait.ge [sflag:s17], $0x4000  }
.Ltmp0:
0x33: {  	[sflag:s17] =	ssyncset.done $0x0;
	(pc) =	sbr.rel @p0 .LBB2_2-.Ltmp0, $4  }
0x34: {  	[sflag:s17] =	ssyncadd.s32 $0xFFFFC000  }
0x35: {  	[spmem:s1] =	stream.indirect.scatter.add.f32 [tilespmem:s16], [sflag:$0x2], $0x80, s15, s15, $0xb8;
	[tilespmem:$0x18A00] =	vst v63  }
0x36: {  	_ =	swait.ge [sflag:s14], $0x4000  }
0x37: {  	s24 =	smov.u32 s28;
	[sflag:s14] =	ssyncset.done $0x0  }
0x38: {  	s24 =	sadd.s32 s23, s12;
	[sflag:s14] =	ssyncadd.s32 $0xFFFFC000  }
0x39: {  	[tilespmem:s3], [sflag:$0x2] =	stream.linear.gather [hbm4b:s24+s3], $0x80, $0x38;
	[tilespmem:$0x18A00] =	vst v63  }
0x3a: {  	_ =	swait.ge [sflag:s14], $0x80  }
0x3b: {  	[sflag:s14] =	ssyncset.done $0x0  }
0x3c: {  	s31 =	sadd.s32 s23, s11;
	[sflag:s14] =	ssyncadd.s32 $0xFFFFFF80  }
0x3d: {  	[tilespmem:s15], [sflag:$0x2] =	stream.linear.gather [hbm4b:s31+s3], $0x80, $0x38;
	[tilespmem:$0x18A00] =	vst v63  }
0x3e: {  	_ =	swait.ge [sflag:s14], $0x80  }
0x3f: {  	[sflag:s14] =	ssyncset.done $0x0  }
0x40: {  	[sflag:s14] =	ssyncadd.s32 $0xFFFFFF80  }
0x41: {  	[tilespmem:s16], [sflag:$0x1] =	stream.indirect.gather [hbm4b:s4+s15], $0x80, s3, s15, $0xb8;
	[tilespmem:$0x18A00] =	vst v63  }
0x42: {  	_ =	swait.ge [sflag:s17], $0x4000  }
0x43: {  	[sflag:s17] =	ssyncset.done $0x0  }
0x44: {  	[sflag:s17] =	ssyncadd.s32 $0xFFFFC000  }
0x45: {  	[spmem:s1] =	stream.indirect.scatter.add.f32 [tilespmem:s16], [sflag:$0x2], $0x80, s15, s15, $0xb8;
	[tilespmem:$0x18A00] =	vst v63  }
0x46: {  	_ =	swait.ge [sflag:s14], $0x4000  }
0x47: {  	[sflag:s14] =	ssyncset.done $0x0  }
0x48: {  	[sflag:s14] =	ssyncadd.s32 $0xFFFFC000  }
0x49: {  	[tilespmem:s18], [sflag:$0x2] =	stream.linear.gather [hbm4b:s7+s3], $0x10, $0x38;
	[tilespmem:$0x18A00] =	vst v63  }
0x4a: {  	_ =	swait.ge [sflag:s14], $0x10  }
0x4b: {  	[sflag:s14] =	ssyncset.done $0x0  }
0x4c: {  	[sflag:s14] =	ssyncadd.s32 $0xFFFFFFF0  }
0x4d: {  	[tilespmem:s19], [sflag:$0x2] =	stream.linear.gather [hbm4b:s8+s3], $0x10, $0x38;
	[tilespmem:$0x18A00] =	vst v63  }
0x4e: {  	_ =	swait.ge [sflag:s14], $0x10  }
0x4f: {  	[sflag:s14] =	ssyncset.done $0x0  }
0x50: {  	[sflag:s14] =	ssyncadd.s32 $0xFFFFFFF0  }
0x51: {  	[tilespmem:s21], [sflag:$0x1] =	stream.indirect.gather [hbm4b:s4+s20], $0x80, s18, s20, $0xb8;
	[tilespmem:$0x18A00] =	vst v63  }
0x52: {  	_ =	swait.ge [sflag:s17], $0x800  }
0x53: {  	[sflag:s17] =	ssyncset.done $0x0  }
0x54: {  	[sflag:s17] =	ssyncadd.s32 $0xFFFFF800  }
0x55: {  	[spmem:s1] =	stream.indirect.scatter.add.f32 [tilespmem:s21], [sflag:$0x2], $0x80, s19, s20, $0xb8;
	[tilespmem:$0x18A00] =	vst v63  }
0x56: {  	_ =	swait.ge [sflag:s14], $0x800  }
0x57: {  	s22 =	sadd.s32 $0x1, s22;
	[sflag:s14] =	ssyncset.done $0x0  }
0x58: {  	p0 =	sne.s32 s22, s10;
	[sflag:s14] =	ssyncadd.s32 $0xFFFFF800  }
.Ltmp1:
0x59: {  	[bflag:$0x0] =	sbarrier.arrive $0xFFFF;
	(pc) =	sbr.rel @p0 .LBB2_1-.Ltmp1, $4  }
0x5a: {  	[hbm:s9], [sflag:s6] =	dma.local [spmem:s13], $0x2800  }
0x5b: {  	_ =	swait.ge [sflag:s14], $0x2800  }
0x5c: {  	[sflag:s14] =	ssyncset.done $0x0  }
0x5d: {  	[sflag:s14] =	ssyncadd.s32 $0xFFFFD800  }
0x5e: {  	_ =	sfence.sel $0x180000  }
0x5f: {  	[bflag:$0x0] =	sbarrier.arrive $0xFFFF  }
0x60: {  	p0 =	sne.s32 s2, $0x0;
	_ =	strace $0x9000004A  }
0x61: {  	s0 =	sadd.s32 @!p0 $0x100000, s0;
	[bflag:$0x2] =	sbarrier.arrive $0xFFFF  }
0x62: {  	[sflag:s0] =	ssyncadd.tile.s32 @!p0 $0x1;
	_ =	shalt  }
.Lfunc_end2:
_tile_overlayer_lowered:
.L_overlay_start_2:
0x63: {  	(tag) =	ssettag $0x2  }
0x64: {  	s0 =	rddreg [dreg:$0x0];
	s2 =	stileid.u32  }
0x65: {  	s1 =	rddreg [dreg:$0x1];
	p0 =	sne.s32 s2, $0x0  }
0x66: {  	s3 =	rddreg [dreg:$0x2];
	[bflag:$0x3] =	sbarrier.arrive $0xFFFF;
	s2 =	simm.s32 @!p0 $0x1C02  }
0x67: {  	[timem:s3], [sflag:s2] =	dma.local @!p0 [hbm:s0], s1  }
0x68: {  	s0 =	simm.s32 @!p0 $0x2  }
0x69: {  	_ =	swait.ge @!p0 [sflag:s0], s1  }
0x6a: {  	s1 =	ssub.s32 @!p0 $0x0, s1;
	[sflag:s0] =	ssyncset.done @!p0 $0x0  }
0x6b: {  	[sflag:s0] =	ssyncadd.s32 @!p0 s1  }
0x6c: {  	[bflag:$0x3] =	sbarrier.arrive $0xFFFF  }
0x6d: {  	_ =	shalt  }

// kernel: kernel.16.cloned.1.call-start
scs
__scs_entry_jumppad:
0x0: {  	(pc) =	sbr.rel $0x88, $3  }
0x1: {  	(tag) =	ssettag $0x0;
	lr =	simm.s32 $0x1  }
0x2: {  	[smem:$0x3F96] =	sst lr;
	_ =	strace $0xD0000000  }
0x3: {  	_ = 	snop  }
0x4: {  	_ = 	snop  }
0x5: {  	_ = 	snop  }
0x6: {  	_ = 	snop  }
0x7: {  	_ = 	snop  }
__scs_overlays_trampoline_lowered:
0x8: {  	[smem:$0x3FA5] =	sst s0  }
0x9: {  	[smem:$0x3FA6] =	sst s1  }
0xa: {  	[smem:$0x3FA7] =	sst s2  }
0xb: {  	[smem:$0x3FA8] =	sst s3  }
0xc: {  	[smem:$0x3FA9] =	sst s4  }
0xd: {  	[smem:$0x3FAA] =	sst s5  }
0xe: {  	[smem:$0x3FAB] =	sst s6  }
0xf: {  	[smem:$0x3FAC] =	sst s7  }
0x10: {  	[smem:$0x3FAD] =	sst s8  }
0x11: {  	[smem:$0x3FAE] =	sst s9;
	s0 =	simm.s32 @!p0 $0x0  }
0x12: {  	s1 =	sld [smem:$0x3F94];
	s0 =	simm.s32 @p0 $0x1  }
0x13: {  	[smem:$0x3FAF] =	sst s0;
	s0 =	simm.s32 @!p1 $0x0  }
0x14: {  	s2 =	sld [smem:$0x3F93];
	s0 =	simm.s32 @p1 $0x1  }
0x15: {  	[smem:$0x3FB0] =	sst s0;
	s0 =	simm.s32 @!p2 $0x0  }
0x16: {  	s3 =	sld [smem:$0x3FDB];
	s0 =	simm.s32 @p2 $0x1  }
0x17: {  	s4 =	simm.s32 $0x1BF5;
	[smem:$0x3FB2] =	sst s0  }
0x18: {  	s0 =	sld [smem:$0x3F95];
	_ =	swait.ge [sflag:s4], $0x0  }
0x19: {  	s7 =	sld [smem:$0x3F96]  }
0x1a: {  	s8 =	sadd.s32 $0xFFFFE003, lr  }
0x1b: {  	s9 =	sadd.s32 $0xFFFFFEF7, lr;
	s5 =	simm.s32 $0xFFFFFFFF;
	p2 =	slt.u32 s8, $0xFFFFF086  }
0x1c: {  	p1 =	slt.u32 s9, $0xF7A;
	s5 =	simm.s32 @!p2 $0x0  }
0x1d: {  	s5 =	simm.s32 @p1 $0x1;
	p0 =	seq.s32 s7, s2  }
0x1e: {  	s7 =	smul.u32 @!p0 $0xF7A, s2;
	p2 =	seq.s32 @!p0 s5, $0x0  }
0x1f: {  	s9 =	smul.u32 $0xF7A, s1;
	s8 =	simm.s32 @!p0 $0x1BF5;
	p2 =	por !p2, p0  }
0x20: {  	[sflag:s8] =	ssyncset.s32 @!p0 $0xFFFFF086;
	s6 =	sadd.s32 @!p0 s3, s7;
	s7 =	simm.s32 @!p0 $0x108  }
0x21: {  	s3 =	sadd.s32 s3, s9;
	s6 =	sadd.s32 @!p0 $0x88, s6;
	s7 =	simm.s32 @p2 $0x1082  }
0x22: {  	[simem:s7], [sflag:s8] =	dma.local @!p0 [hbm:s6], $0xF7A  }
0x23: {  	s9 =	sor.u32 $0xD0000000, s2;
	s6 =	simm.s32 $0x108;
	_ =	swait.ge @!p0 [sflag:s8], $0x0  }
0x24: {  	s3 =	sadd.s32 $0x88, s3;
	s6 =	simm.s32 @!p1 $0x1082;
	[sflag:s4] =	ssyncset.s32 $0xFFFFF086  }
0x25: {  	[simem:s6], [sflag:s4] =	dma.local [hbm:s3], $0xF7A  }
0x26: {  	[smem:$0x3F96] =	sst s1;
	(tag) =	ssettag s2;
	_ =	strace s9  }
0x27: {  	s1 =	sld [smem:$0x3FA6]  }
0x28: {  	s2 =	sld [smem:$0x3FA7]  }
0x29: {  	s4 =	sld [smem:$0x3FA9]  }
0x2a: {  	p0 =	seq.s32 s5, $0x0;
	s5 =	sld [smem:$0x3FAA]  }
0x2b: {  	s6 =	sld [smem:$0x3FAB]  }
0x2c: {  	s7 =	sld [smem:$0x3FAC]  }
0x2d: {  	s3 =	simm.s32 $0x108;
	s8 =	sld [smem:$0x3FAD]  }
0x2e: {  	s3 =	simm.s32 @!p0 $0x1082;
	s9 =	sld [smem:$0x3FAE]  }
0x2f: {  	lr =	sadd.s32 s0, s3;
	s0 =	sld [smem:$0x3FA5]  }
0x30: {  	s3 =	sld [smem:$0x3FA8]  }
0x31: {  	[smem:$0x3FB1] =	sst s10  }
0x32: {  	s10 =	sld [smem:$0x3FAF];
	_ =	sdelay $0x3  }
0x33: {  	p0 =	seq.s32 s10, $0x1;
	s10 =	sld [smem:$0x3FB1];
	_ =	sdelay $0x3  }
0x34: {  	[smem:$0x3FB1] =	sst s10  }
0x35: {  	s10 =	sld [smem:$0x3FB0];
	_ =	sdelay $0x3  }
0x36: {  	p1 =	seq.s32 s10, $0x1;
	s10 =	sld [smem:$0x3FB1];
	_ =	sdelay $0x3  }
0x37: {  	[smem:$0x3FB1] =	sst s10  }
0x38: {  	s10 =	sld [smem:$0x3FB2]  }
0x39: {  	_ = 	snop;
	(pc) =	sbr.ind lr, $3  }
0x3a: {  	_ = 	snop  }
0x3b: {  	_ = 	snop  }
0x3c: {  	p2 =	seq.s32 s10, $0x1;
	s10 =	sld [smem:$0x3FB1]  }
0x3d: {  	_ =	shalt  }
0x3e: {  	_ =	shalt  }
0x3f: {  	_ =	shalt  }
0x40: {  	_ =	shalt  }
0x41: {  	_ =	shalt  }
0x42: {  	_ =	shalt  }
0x43: {  	_ =	shalt  }
0x44: {  	_ =	shalt  }
0x45: {  	_ =	shalt  }
0x46: {  	_ =	shalt  }
0x47: {  	_ =	shalt  }
0x48: {  	_ =	shalt  }
0x49: {  	_ =	shalt  }
0x4a: {  	_ =	shalt  }
0x4b: {  	_ =	shalt  }
0x4c: {  	_ =	shalt  }
0x4d: {  	_ =	shalt  }
0x4e: {  	_ =	shalt  }
0x4f: {  	_ =	shalt  }
0x50: {  	_ =	shalt  }
0x51: {  	_ =	shalt  }
0x52: {  	_ =	shalt  }
0x53: {  	_ =	shalt  }
0x54: {  	_ =	shalt  }
0x55: {  	_ =	shalt  }
0x56: {  	_ =	shalt  }
0x57: {  	_ =	shalt  }
0x58: {  	_ =	shalt  }
0x59: {  	_ =	shalt  }
0x5a: {  	_ =	shalt  }
0x5b: {  	_ =	shalt  }
0x5c: {  	_ =	shalt  }
0x5d: {  	_ =	shalt  }
0x5e: {  	_ =	shalt  }
0x5f: {  	_ =	shalt  }
0x60: {  	_ =	shalt  }
0x61: {  	_ =	shalt  }
0x62: {  	_ =	shalt  }
0x63: {  	_ =	shalt  }
0x64: {  	_ =	shalt  }
0x65: {  	_ =	shalt  }
0x66: {  	_ =	shalt  }
0x67: {  	_ =	shalt  }
0x68: {  	_ =	shalt  }
0x69: {  	_ =	shalt  }
0x6a: {  	_ =	shalt  }
0x6b: {  	_ =	shalt  }
0x6c: {  	_ =	shalt  }
0x6d: {  	_ =	shalt  }
0x6e: {  	_ =	shalt  }
0x6f: {  	_ =	shalt  }
0x70: {  	_ =	shalt  }
0x71: {  	_ =	shalt  }
0x72: {  	_ =	shalt  }
0x73: {  	_ =	shalt  }
0x74: {  	_ =	shalt  }
0x75: {  	_ =	shalt  }
0x76: {  	_ =	shalt  }
0x77: {  	_ =	shalt  }
0x78: {  	_ =	shalt  }
0x79: {  	_ =	shalt  }
0x7a: {  	_ =	shalt  }
0x7b: {  	_ =	shalt  }
0x7c: {  	_ =	shalt  }
0x7d: {  	_ =	shalt  }
0x7e: {  	_ =	shalt  }
0x7f: {  	_ =	shalt  }
0x80: {  	_ =	shalt  }
0x81: {  	_ =	shalt  }
0x82: {  	_ =	shalt  }
0x83: {  	_ =	shalt  }
0x84: {  	_ =	shalt  }
0x85: {  	_ =	shalt  }
0x86: {  	_ =	shalt  }
0x87: {  	_ =	shalt  }
.Lfunc_end0:
.L_simem_size_0:
called_computation.2_lowered:
.L_overlay_start_0:
0x88: {  	s2 =	sld [smem:$0x3FD9]  }
0x89: {  	s3 =	sld [smem:$0x3FFE];
	_ =	sdelay $0x1  }
0x8a: {  	s1 =	srdreg.scid  }
0x8b: {  	s0 =	sand.u32 $0x1, s1  }
0x8c: {  	s16 =	sshll.u32 s0, $0xA;
	s2 =	sadd.s32 s3, s2  }
0x8d: {  	s2 =	sadd.s32 s2, s16  }
0x8e: {  	[smem:$0x3FBD] =	sst s2  }
0x8f: {  	_ = 	snop  }
0x90: {  	(tm) =	ssettm $0x1  }
0x91: {  	s17 =	sld [smem:$0x3FFB];
	_ =	sdelay $0x3  }
0x92: {  	_ =	strace s17  }
0x93: {  	s2 =	sld [smem:$0x3FFC];
	_ =	sdelay $0x3  }
0x94: {  	_ =	strace s2  }
0x95: {  	s2 =	sld [smem:$0x3FFD];
	_ =	sdelay $0x3  }
0x96: {  	_ =	strace s2  }
0x97: {  	_ =	strace $0x8FFFFFFF  }
0x98: {  	s18 =	sld [smem:$0x3FDB];
	_ =	sdelay $0x1  }
0x99: {  	s19 =	simm.s32 $_scs_section_size  }
0x9a: {  	s4 =	simm.s32 $_size__tile_overlayer_lowered;
	s5 =	simm.s32 $_tile_overlayer_lowered  }
0x9b: {  	s22 =	simm.s32 $0x1BFF;
	s21 =	sshll.u32 s5, $0x1;
	s2 =	sadd.s32 s19, s18  }
0x9c: {  	s6 =	simm.s32 $0x0;
	s20 =	sshll.u32 s4, $0x1;
	s4 =	sadd.s32 s21, s2  }
0x9d: {  	[timem:s6], [sflag:s22] =	dma.local [hbm:s4], s20  }
0x9e: {  	_ =	swait.ge [sflag:s22], s20  }
0x9f: {  	s3 =	ssub.s32 $0x0, s20;
	[sflag:s22] =	ssyncset.done $0x0  }
0xa0: {  	[sflag:s22] =	ssyncadd.s32 s3;
	_ =	sdelay $0x1  }
0xa1: {  	s23 =	simm.s32 $0x1B8B  }
0xa2: {  	_ =	swait.ge [sflag:s23], $0x1  }
0xa3: {  	[sflag:s23] =	ssyncset.done $0x0  }
0xa4: {  	s25 =	simm.s32 $0x1B8E;
	s24 =	sld [smem:$0x3FFE];
	[sflag:s23] =	ssyncadd.s32 $0xFFFFFFFF  }
0xa5: {  	s26 =	simm.s32 $execute0_lowered;
	[smem:$0x3FD2] =	sst s25  }
0xa6: {  	s4 =	sshll.u32 s26, $0x1;
	_ =	strace $0x8000004C;
	[dreg:$0x1] =	wrdreg $0xFFFFFFFF  }
0xa7: {  	s28 =	simm.s32 $_size_execute0_lowered;
	s2 =	sadd.s32 s2, s4;
	[dreg:$0x0] =	wrdreg $0x0  }
0xa8: {  	s4 =	sshll.u32 s28, $0x1;
	[dreg:$0x2] =	wrdreg s2  }
0xa9: {  	[dreg:$0x3] =	wrdreg s4  }
0xaa: {  	[dreg:$0x4] =	wrdreg $0xC0  }
0xab: {  	_ =	task [dreg:s6], $0x5FFFF  }
0xac: {  	[dreg:$0x1] =	wrdreg $0xFFFFFFFF  }
0xad: {  	[dreg:$0x0] =	wrdreg $0x60  }
0xae: {  	[dreg:$0x2] =	wrdreg s24  }
0xaf: {  	[dreg:$0x3] =	wrdreg $0x4A000  }
0xb0: {  	[dreg:$0x4] =	wrdreg $0x9  }
0xb1: {  	_ =	task.clear_ibuf [dreg:s6], $0x5FFFF;
	_ =	strace $0x9000004C  }
0xb2: {  	s29 =	simm.s32 $0x9;
	_ =	strace $0x8000004E  }
0xb3: {  	_ =	swait.ge [sflag:s29], $0x1  }
0xb4: {  	[sflag:s29] =	ssyncadd.s32 $0xFFFFFFFF  }
0xb5: {  	_ =	strace $0x9000004E  }
0xb6: {  	_ =	sfence  }
0xb7: {  	s30 =	sld [smem:$0x0];
	_ =	sdelay $0x2  }
0xb8: {  	s31 =	sshll.u32 s1, $0xD;
	s1 =	sshrl.u32 s1, $0x2  }
0xb9: {  	s3 =	sand.u32 $0x4000, s31;
	s1 =	sadd.s32 s1, s30  }
0xba: {  	s0 =	sor.u32 s3, s0;
	s1 =	sshll.u32 s1, $0x11  }
0xbb: {  	s0 =	sor.u32 s1, s0  }
0xbc: {  	s0 =	sadd.s32 $0x8F2B, s0  }
0xbd: {  	[sflag:s0] =	ssyncadd.remote.s32 $0x1  }
0xbe: {  	_ =	sfence.sel $0xFFFF  }
0xbf: {  	[dreg:$0x0] =	wrdreg $0xFFFFFFFF;
	(pc) =	sbr.abs _section_cstart, $3  }
0xc0: {  	[dreg:$0x1] =	wrdreg $0xFFFFFFFF  }
0xc1: {  	_ =	task.clear_ibuf [dreg:s6], $0x2FFFF;
	_ =	strace $0x9FFFFFFF  }
0xc2: {  	(tm) =	ssettm $0x7FFFFFFF  }
0xc3: {  	_ =	shalt  }
tec
execute0_lowered:
.L_overlay_start_1:
0x0: {  	(tag) =	ssettag $0x1  }
0x1: {  	s6 =	rddreg [dreg:$0x0]  }
0x2: {  	s1 =	rddreg [dreg:$0x1];
	s2 =	srdreg.scid  }
0x3: {  	s0 =	rddreg [dreg:$0x2];
	s3 =	simm.s32 $0x0;
	s16 =	simm.s32 $0x200  }
0x4: {  	s17 =	simm.s32 $0x1;
	s18 =	simm.s32 $0x100;
	s19 =	simm.s32 $0x180  }
0x5: {  	s20 =	simm.s32 $0x10;
	s21 =	simm.s32 $0x4200;
	s7 =	sand.u32 $0x1, s2  }
0x6: {  	s22 =	simm.s32 $0x0;
	s2 =	stileid.u32;
	s5 =	smul.u32 $0x140000, s7  }
0x7: {  	[smem:$0x7FF] =	sst s3;
	s4 =	sadd.s32 $0x16C00, s6;
	s8 =	smul.u32 $0x14000, s2  }
0x8: {  	s12 =	sadd.s32 $0x3000, s6;
	s11 =	sadd.s32 $0xCE00, s6;
	s13 =	smul.u32 $0x50000, s2  }
0x9: {  	_ =	strace $0x8000004D;
	s9 =	sshll.u32 s7, $0x4;
	s29 =	smul.u32 $0x27100, s7  }
0xa: {  	s10 =	ssub.s32 $0x2, s7;
	s30 =	sshll.u32 s2, $0x6;
	s31 =	smul.u32 $0x2710, s2  }
0xb: {  	s9 =	sor.u32 s2, s9;
	s25 =	sshrl.u32 s10, $0x1;
	s8 =	sadd.s32 s8, s5  }
0xc: {  	s5 =	sadd.s32 $0x3DE00, s6;
	s26 =	smul.u32 $0x2710, s9;
	s10 =	ssub.s32 s10, s25  }
0xd: {  	s28 =	sshrl.u32 s13, $0x2;
	s13 =	sadd.s32 s31, s29;
	s8 =	sshrl.u32 s8, $0x3  }
0xe: {  	s15 =	sadd.s32 s28, s1;
	s10 =	smax.u32 s10, $0x1;
	s13 =	sshrl.u32 s13, $0x3  }
0xf: {  	s14 =	sadd.s32 s8, s6;
	s8 =	sshrl.u32 s26, $0x3;
	s6 =	sor.u32 $0x1C02, s30  }
0x10: {  	s8 =	sadd.s32 $0x4E0, s8;
	s9 =	sadd.s32 $0x40600, s14;
	s14 =	simm.s32 $0x2  }
0x11: {  	s7 =	sadd.s32 s12, s8;
	s8 =	sadd.s32 s11, s8;
	s11 =	sadd.s32 s13, s11  }
0x12: {  	s12 =	sadd.s32 s13, s12;
	s13 =	sshrl.u32 s15, $0x3;
	s15 =	simm.s32 $0x80  }
.LBB2_1:
0x13: {  	[spmem:s13], [sflag:s6] =	dma.local [hbm:s5], $0x2800  }
0x14: {  	_ =	swait.ge [sflag:s14], $0x2800  }
0x15: {  	[sflag:s14] =	ssyncset.done $0x0  }
0x16: {  	[sflag:s14] =	ssyncadd.s32 $0xFFFFD800  }
0x17: {  	s23 =	sadd.s32 $0x0, s12;
	[bflag:$0x0] =	sbarrier.arrive $0xFFFF  }
0x18: {  	[tilespmem:s3], [sflag:$0x2] =	stream.linear.gather [hbm4b:s23+s3], $0x80, $0x38;
	[tilespmem:$0x18A00] =	vst v63  }
0x19: {  	_ =	swait.ge [sflag:s14], $0x80  }
0x1a: {  	[sflag:s14] =	ssyncset.done $0x0  }
0x1b: {  	s31 =	sadd.s32 $0x0, s11;
	[sflag:s14] =	ssyncadd.s32 $0xFFFFFF80  }
0x1c: {  	[tilespmem:s15], [sflag:$0x2] =	stream.linear.gather [hbm4b:s31+s3], $0x80, $0x38;
	[tilespmem:$0x18A00] =	vst v63  }
0x1d: {  	_ =	swait.ge [sflag:s14], $0x80  }
0x1e: {  	[sflag:s14] =	ssyncset.done $0x0  }
0x1f: {  	[sflag:s14] =	ssyncadd.s32 $0xFFFFFF80  }
0x20: {  	[tilespmem:s16], [sflag:$0x1] =	stream.indirect.gather [hbm4b:s4+s15], $0x80, s3, s15, $0xb8;
	[tilespmem:$0x18A00] =	vst v63  }
0x21: {  	_ =	swait.ge [sflag:s17], $0x4000  }
0x22: {  	[sflag:s17] =	ssyncset.done $0x0  }
0x23: {  	[sflag:s17] =	ssyncadd.s32 $0xFFFFC000  }
0x24: {  	[spmem:s1] =	stream.indirect.scatter.add.f32 [tilespmem:s16], [sflag:$0x2], $0x80, s15, s15, $0xb8;
	[tilespmem:$0x18A00] =	vst v63  }
0x25: {  	_ =	swait.ge [sflag:s14], $0x4000  }
0x26: {  	s24 =	simm.s32 $0x20;
	s23 =	simm.s32 $0x10;
	[sflag:s14] =	ssyncset.done $0x0  }
.LBB2_2:
0x27: {  	s25 =	sadd.s32 s23, s12  }
0x28: {  	[sflag:s14] =	ssyncadd.s32 $0xFFFFC000;
	s26 =	smov.u32 s24;
	s28 =	sadd.s32 $0x10, s24  }
0x29: {  	[tilespmem:s3], [sflag:$0x2] =	stream.linear.gather [hbm4b:s25+s3], $0x80, $0x38;
	[tilespmem:$0x18A00] =	vst v63  }
0x2a: {  	p0 =	sne.s32 s24, $0x4D0;
	_ =	swait.ge [sflag:s14], $0x80  }
0x2b: {  	[sflag:s14] =	ssyncset.done $0x0  }
0x2c: {  	s24 =	sadd.s32 s23, s11;
	s23 =	smov.u32 s26;
	[sflag:s14] =	ssyncadd.s32 $0xFFFFFF80  }
0x2d: {  	[tilespmem:s15], [sflag:$0x2] =	stream.linear.gather [hbm4b:s24+s3], $0x80, $0x38;
	[tilespmem:$0x18A00] =	vst v63  }
0x2e: {  	_ =	swait.ge [sflag:s14], $0x80  }
0x2f: {  	[sflag:s14] =	ssyncset.done $0x0  }
0x30: {  	[sflag:s14] =	ssyncadd.s32 $0xFFFFFF80  }
0x31: {  	[tilespmem:s16], [sflag:$0x1] =	stream.indirect.gather [hbm4b:s4+s15], $0x80, s3, s15, $0xb8;
	[tilespmem:$0x18A00] =	vst v63  }
0x32: {  	_ =	swait.ge [sflag:s17], $0x4000  }
.Ltmp0:
0x33: {  	[sflag:s17] =	ssyncset.done $0x0;
	(pc) =	sbr.rel @p0 .LBB2_2-.Ltmp0, $4  }
0x34: {  	[sflag:s17] =	ssyncadd.s32 $0xFFFFC000  }
0x35: {  	[spmem:s1] =	stream.indirect.scatter.add.f32 [tilespmem:s16], [sflag:$0x2], $0x80, s15, s15, $0xb8;
	[tilespmem:$0x18A00] =	vst v63  }
0x36: {  	_ =	swait.ge [sflag:s14], $0x4000  }
0x37: {  	s24 =	smov.u32 s28;
	[sflag:s14] =	ssyncset.done $0x0  }
0x38: {  	s24 =	sadd.s32 s23, s12;
	[sflag:s14] =	ssyncadd.s32 $0xFFFFC000  }
0x39: {  	[tilespmem:s3], [sflag:$0x2] =	stream.linear.gather [hbm4b:s24+s3], $0x80, $0x38;
	[tilespmem:$0x18A00] =	vst v63  }
0x3a: {  	_ =	swait.ge [sflag:s14], $0x80  }
0x3b: {  	[sflag:s14] =	ssyncset.done $0x0  }
0x3c: {  	s31 =	sadd.s32 s23, s11;
	[sflag:s14] =	ssyncadd.s32 $0xFFFFFF80  }
0x3d: {  	[tilespmem:s15], [sflag:$0x2] =	stream.linear.gather [hbm4b:s31+s3], $0x80, $0x38;
	[tilespmem:$0x18A00] =	vst v63  }
0x3e: {  	_ =	swait.ge [sflag:s14], $0x80  }
0x3f: {  	[sflag:s14] =	ssyncset.done $0x0  }
0x40: {  	[sflag:s14] =	ssyncadd.s32 $0xFFFFFF80  }
0x41: {  	[tilespmem:s16], [sflag:$0x1] =	stream.indirect.gather [hbm4b:s4+s15], $0x80, s3, s15, $0xb8;
	[tilespmem:$0x18A00] =	vst v63  }
0x42: {  	_ =	swait.ge [sflag:s17], $0x4000  }
0x43: {  	[sflag:s17] =	ssyncset.done $0x0  }
0x44: {  	[sflag:s17] =	ssyncadd.s32 $0xFFFFC000  }
0x45: {  	[spmem:s1] =	stream.indirect.scatter.add.f32 [tilespmem:s16], [sflag:$0x2], $0x80, s15, s15, $0xb8;
	[tilespmem:$0x18A00] =	vst v63  }
0x46: {  	_ =	swait.ge [sflag:s14], $0x4000  }
0x47: {  	[sflag:s14] =	ssyncset.done $0x0  }
0x48: {  	[sflag:s14] =	ssyncadd.s32 $0xFFFFC000  }
0x49: {  	[tilespmem:s18], [sflag:$0x2] =	stream.linear.gather [hbm4b:s7+s3], $0x10, $0x38;
	[tilespmem:$0x18A00] =	vst v63  }
0x4a: {  	_ =	swait.ge [sflag:s14], $0x10  }
0x4b: {  	[sflag:s14] =	ssyncset.done $0x0  }
0x4c: {  	[sflag:s14] =	ssyncadd.s32 $0xFFFFFFF0  }
0x4d: {  	[tilespmem:s19], [sflag:$0x2] =	stream.linear.gather [hbm4b:s8+s3], $0x10, $0x38;
	[tilespmem:$0x18A00] =	vst v63  }
0x4e: {  	_ =	swait.ge [sflag:s14], $0x10  }
0x4f: {  	[sflag:s14] =	ssyncset.done $0x0  }
0x50: {  	[sflag:s14] =	ssyncadd.s32 $0xFFFFFFF0  }
0x51: {  	[tilespmem:s21], [sflag:$0x1] =	stream.indirect.gather [hbm4b:s4+s20], $0x80, s18, s20, $0xb8;
	[tilespmem:$0x18A00] =	vst v63  }
0x52: {  	_ =	swait.ge [sflag:s17], $0x800  }
0x53: {  	[sflag:s17] =	ssyncset.done $0x0  }
0x54: {  	[sflag:s17] =	ssyncadd.s32 $0xFFFFF800  }
0x55: {  	[spmem:s1] =	stream.indirect.scatter.add.f32 [tilespmem:s21], [sflag:$0x2], $0x80, s19, s20, $0xb8;
	[tilespmem:$0x18A00] =	vst v63  }
0x56: {  	_ =	swait.ge [sflag:s14], $0x800  }
0x57: {  	s22 =	sadd.s32 $0x1, s22;
	[sflag:s14] =	ssyncset.done $0x0  }
0x58: {  	p0 =	sne.s32 s22, s10;
	[sflag:s14] =	ssyncadd.s32 $0xFFFFF800  }
.Ltmp1:
0x59: {  	[bflag:$0x0] =	sbarrier.arrive $0xFFFF;
	(pc) =	sbr.rel @p0 .LBB2_1-.Ltmp1, $4  }
0x5a: {  	[hbm:s9], [sflag:s6] =	dma.local [spmem:s13], $0x2800  }
0x5b: {  	_ =	swait.ge [sflag:s14], $0x2800  }
0x5c: {  	[sflag:s14] =	ssyncset.done $0x0  }
0x5d: {  	[sflag:s14] =	ssyncadd.s32 $0xFFFFD800  }
0x5e: {  	_ =	sfence.sel $0x180000  }
0x5f: {  	[bflag:$0x0] =	sbarrier.arrive $0xFFFF  }
0x60: {  	p0 =	sne.s32 s2, $0x0;
	_ =	strace $0x9000004D  }
0x61: {  	s0 =	sadd.s32 @!p0 $0x100000, s0;
	[bflag:$0x2] =	sbarrier.arrive $0xFFFF  }
0x62: {  	[sflag:s0] =	ssyncadd.tile.s32 @!p0 $0x1;
	_ =	shalt  }
.Lfunc_end2:
_tile_overlayer_lowered:
.L_overlay_start_2:
0x63: {  	(tag) =	ssettag $0x2  }
0x64: {  	s0 =	rddreg [dreg:$0x0];
	s2 =	stileid.u32  }
0x65: {  	s1 =	rddreg [dreg:$0x1];
	p0 =	sne.s32 s2, $0x0  }
0x66: {  	s3 =	rddreg [dreg:$0x2];
	[bflag:$0x3] =	sbarrier.arrive $0xFFFF;
	s2 =	simm.s32 @!p0 $0x1C02  }
0x67: {  	[timem:s3], [sflag:s2] =	dma.local @!p0 [hbm:s0], s1  }
0x68: {  	s0 =	simm.s32 @!p0 $0x2  }
0x69: {  	_ =	swait.ge @!p0 [sflag:s0], s1  }
0x6a: {  	s1 =	ssub.s32 @!p0 $0x0, s1;
	[sflag:s0] =	ssyncset.done @!p0 $0x0  }
0x6b: {  	[sflag:s0] =	ssyncadd.s32 @!p0 s1  }
0x6c: {  	[bflag:$0x3] =	sbarrier.arrive $0xFFFF  }
0x6d: {  	_ =	shalt  }

// kernel: kernel.19.cloned.1.call-start
scs
__scs_entry_jumppad:
0x0: {  	(pc) =	sbr.rel $0x88, $3  }
0x1: {  	(tag) =	ssettag $0x0;
	lr =	simm.s32 $0x1  }
0x2: {  	[smem:$0x3F96] =	sst lr;
	_ =	strace $0xD0000000  }
0x3: {  	_ = 	snop  }
0x4: {  	_ = 	snop  }
0x5: {  	_ = 	snop  }
0x6: {  	_ = 	snop  }
0x7: {  	_ = 	snop  }
__scs_overlays_trampoline_lowered:
0x8: {  	[smem:$0x3FA5] =	sst s0  }
0x9: {  	[smem:$0x3FA6] =	sst s1  }
0xa: {  	[smem:$0x3FA7] =	sst s2  }
0xb: {  	[smem:$0x3FA8] =	sst s3  }
0xc: {  	[smem:$0x3FA9] =	sst s4  }
0xd: {  	[smem:$0x3FAA] =	sst s5  }
0xe: {  	[smem:$0x3FAB] =	sst s6  }
0xf: {  	[smem:$0x3FAC] =	sst s7  }
0x10: {  	[smem:$0x3FAD] =	sst s8  }
0x11: {  	[smem:$0x3FAE] =	sst s9;
	s0 =	simm.s32 @!p0 $0x0  }
0x12: {  	s1 =	sld [smem:$0x3F94];
	s0 =	simm.s32 @p0 $0x1  }
0x13: {  	[smem:$0x3FAF] =	sst s0;
	s0 =	simm.s32 @!p1 $0x0  }
0x14: {  	s2 =	sld [smem:$0x3F93];
	s0 =	simm.s32 @p1 $0x1  }
0x15: {  	[smem:$0x3FB0] =	sst s0;
	s0 =	simm.s32 @!p2 $0x0  }
0x16: {  	s3 =	sld [smem:$0x3FDB];
	s0 =	simm.s32 @p2 $0x1  }
0x17: {  	s4 =	simm.s32 $0x1BF5;
	[smem:$0x3FB2] =	sst s0  }
0x18: {  	s0 =	sld [smem:$0x3F95];
	_ =	swait.ge [sflag:s4], $0x0  }
0x19: {  	s7 =	sld [smem:$0x3F96]  }
0x1a: {  	s8 =	sadd.s32 $0xFFFFE003, lr  }
0x1b: {  	s9 =	sadd.s32 $0xFFFFFEF7, lr;
	s5 =	simm.s32 $0xFFFFFFFF;
	p2 =	slt.u32 s8, $0xFFFFF086  }
0x1c: {  	p1 =	slt.u32 s9, $0xF7A;
	s5 =	simm.s32 @!p2 $0x0  }
0x1d: {  	s5 =	simm.s32 @p1 $0x1;
	p0 =	seq.s32 s7, s2  }
0x1e: {  	s7 =	smul.u32 @!p0 $0xF7A, s2;
	p2 =	seq.s32 @!p0 s5, $0x0  }
0x1f: {  	s9 =	smul.u32 $0xF7A, s1;
	s8 =	simm.s32 @!p0 $0x1BF5;
	p2 =	por !p2, p0  }
0x20: {  	[sflag:s8] =	ssyncset.s32 @!p0 $0xFFFFF086;
	s6 =	sadd.s32 @!p0 s3, s7;
	s7 =	simm.s32 @!p0 $0x108  }
0x21: {  	s3 =	sadd.s32 s3, s9;
	s6 =	sadd.s32 @!p0 $0x88, s6;
	s7 =	simm.s32 @p2 $0x1082  }
0x22: {  	[simem:s7], [sflag:s8] =	dma.local @!p0 [hbm:s6], $0xF7A  }
0x23: {  	s9 =	sor.u32 $0xD0000000, s2;
	s6 =	simm.s32 $0x108;
	_ =	swait.ge @!p0 [sflag:s8], $0x0  }
0x24: {  	s3 =	sadd.s32 $0x88, s3;
	s6 =	simm.s32 @!p1 $0x1082;
	[sflag:s4] =	ssyncset.s32 $0xFFFFF086  }
0x25: {  	[simem:s6], [sflag:s4] =	dma.local [hbm:s3], $0xF7A  }
0x26: {  	[smem:$0x3F96] =	sst s1;
	(tag) =	ssettag s2;
	_ =	strace s9  }
0x27: {  	s1 =	sld [smem:$0x3FA6]  }
0x28: {  	s2 =	sld [smem:$0x3FA7]  }
0x29: {  	s4 =	sld [smem:$0x3FA9]  }
0x2a: {  	p0 =	seq.s32 s5, $0x0;
	s5 =	sld [smem:$0x3FAA]  }
0x2b: {  	s6 =	sld [smem:$0x3FAB]  }
0x2c: {  	s7 =	sld [smem:$0x3FAC]  }
0x2d: {  	s3 =	simm.s32 $0x108;
	s8 =	sld [smem:$0x3FAD]  }
0x2e: {  	s3 =	simm.s32 @!p0 $0x1082;
	s9 =	sld [smem:$0x3FAE]  }
0x2f: {  	lr =	sadd.s32 s0, s3;
	s0 =	sld [smem:$0x3FA5]  }
0x30: {  	s3 =	sld [smem:$0x3FA8]  }
0x31: {  	[smem:$0x3FB1] =	sst s10  }
0x32: {  	s10 =	sld [smem:$0x3FAF];
	_ =	sdelay $0x3  }
0x33: {  	p0 =	seq.s32 s10, $0x1;
	s10 =	sld [smem:$0x3FB1];
	_ =	sdelay $0x3  }
0x34: {  	[smem:$0x3FB1] =	sst s10  }
0x35: {  	s10 =	sld [smem:$0x3FB0];
	_ =	sdelay $0x3  }
0x36: {  	p1 =	seq.s32 s10, $0x1;
	s10 =	sld [smem:$0x3FB1];
	_ =	sdelay $0x3  }
0x37: {  	[smem:$0x3FB1] =	sst s10  }
0x38: {  	s10 =	sld [smem:$0x3FB2]  }
0x39: {  	_ = 	snop;
	(pc) =	sbr.ind lr, $3  }
0x3a: {  	_ = 	snop  }
0x3b: {  	_ = 	snop  }
0x3c: {  	p2 =	seq.s32 s10, $0x1;
	s10 =	sld [smem:$0x3FB1]  }
0x3d: {  	_ =	shalt  }
0x3e: {  	_ =	shalt  }
0x3f: {  	_ =	shalt  }
0x40: {  	_ =	shalt  }
0x41: {  	_ =	shalt  }
0x42: {  	_ =	shalt  }
0x43: {  	_ =	shalt  }
0x44: {  	_ =	shalt  }
0x45: {  	_ =	shalt  }
0x46: {  	_ =	shalt  }
0x47: {  	_ =	shalt  }
0x48: {  	_ =	shalt  }
0x49: {  	_ =	shalt  }
0x4a: {  	_ =	shalt  }
0x4b: {  	_ =	shalt  }
0x4c: {  	_ =	shalt  }
0x4d: {  	_ =	shalt  }
0x4e: {  	_ =	shalt  }
0x4f: {  	_ =	shalt  }
0x50: {  	_ =	shalt  }
0x51: {  	_ =	shalt  }
0x52: {  	_ =	shalt  }
0x53: {  	_ =	shalt  }
0x54: {  	_ =	shalt  }
0x55: {  	_ =	shalt  }
0x56: {  	_ =	shalt  }
0x57: {  	_ =	shalt  }
0x58: {  	_ =	shalt  }
0x59: {  	_ =	shalt  }
0x5a: {  	_ =	shalt  }
0x5b: {  	_ =	shalt  }
0x5c: {  	_ =	shalt  }
0x5d: {  	_ =	shalt  }
0x5e: {  	_ =	shalt  }
0x5f: {  	_ =	shalt  }
0x60: {  	_ =	shalt  }
0x61: {  	_ =	shalt  }
0x62: {  	_ =	shalt  }
0x63: {  	_ =	shalt  }
0x64: {  	_ =	shalt  }
0x65: {  	_ =	shalt  }
0x66: {  	_ =	shalt  }
0x67: {  	_ =	shalt  }
0x68: {  	_ =	shalt  }
0x69: {  	_ =	shalt  }
0x6a: {  	_ =	shalt  }
0x6b: {  	_ =	shalt  }
0x6c: {  	_ =	shalt  }
0x6d: {  	_ =	shalt  }
0x6e: {  	_ =	shalt  }
0x6f: {  	_ =	shalt  }
0x70: {  	_ =	shalt  }
0x71: {  	_ =	shalt  }
0x72: {  	_ =	shalt  }
0x73: {  	_ =	shalt  }
0x74: {  	_ =	shalt  }
0x75: {  	_ =	shalt  }
0x76: {  	_ =	shalt  }
0x77: {  	_ =	shalt  }
0x78: {  	_ =	shalt  }
0x79: {  	_ =	shalt  }
0x7a: {  	_ =	shalt  }
0x7b: {  	_ =	shalt  }
0x7c: {  	_ =	shalt  }
0x7d: {  	_ =	shalt  }
0x7e: {  	_ =	shalt  }
0x7f: {  	_ =	shalt  }
0x80: {  	_ =	shalt  }
0x81: {  	_ =	shalt  }
0x82: {  	_ =	shalt  }
0x83: {  	_ =	shalt  }
0x84: {  	_ =	shalt  }
0x85: {  	_ =	shalt  }
0x86: {  	_ =	shalt  }
0x87: {  	_ =	shalt  }
.Lfunc_end0:
.L_simem_size_0:
called_computation.3_lowered:
.L_overlay_start_0:
0x88: {  	s2 =	sld [smem:$0x3FD9]  }
0x89: {  	s3 =	sld [smem:$0x3FFE];
	_ =	sdelay $0x1  }
0x8a: {  	s1 =	srdreg.scid  }
0x8b: {  	s0 =	sand.u32 $0x1, s1  }
0x8c: {  	s16 =	sshll.u32 s0, $0xA;
	s2 =	sadd.s32 s3, s2  }
0x8d: {  	s2 =	sadd.s32 s2, s16  }
0x8e: {  	[smem:$0x3FBD] =	sst s2  }
0x8f: {  	_ = 	snop  }
0x90: {  	(tm) =	ssettm $0x1  }
0x91: {  	s17 =	sld [smem:$0x3FFB];
	_ =	sdelay $0x3  }
0x92: {  	_ =	strace s17  }
0x93: {  	s2 =	sld [smem:$0x3FFC];
	_ =	sdelay $0x3  }
0x94: {  	_ =	strace s2  }
0x95: {  	s2 =	sld [smem:$0x3FFD];
	_ =	sdelay $0x3  }
0x96: {  	_ =	strace s2  }
0x97: {  	_ =	strace $0x8FFFFFFF  }
0x98: {  	s18 =	sld [smem:$0x3FDB];
	_ =	sdelay $0x1  }
0x99: {  	s19 =	simm.s32 $_scs_section_size  }
0x9a: {  	s4 =	simm.s32 $_size__tile_overlayer_lowered;
	s5 =	simm.s32 $_tile_overlayer_lowered  }
0x9b: {  	s22 =	simm.s32 $0x1BFF;
	s21 =	sshll.u32 s5, $0x1;
	s2 =	sadd.s32 s19, s18  }
0x9c: {  	s6 =	simm.s32 $0x0;
	s20 =	sshll.u32 s4, $0x1;
	s4 =	sadd.s32 s21, s2  }
0x9d: {  	[timem:s6], [sflag:s22] =	dma.local [hbm:s4], s20  }
0x9e: {  	_ =	swait.ge [sflag:s22], s20  }
0x9f: {  	s3 =	ssub.s32 $0x0, s20;
	[sflag:s22] =	ssyncset.done $0x0  }
0xa0: {  	[sflag:s22] =	ssyncadd.s32 s3;
	_ =	sdelay $0x1  }
0xa1: {  	s23 =	simm.s32 $0x1B8B  }
0xa2: {  	_ =	swait.ge [sflag:s23], $0x1  }
0xa3: {  	[sflag:s23] =	ssyncset.done $0x0  }
0xa4: {  	s25 =	simm.s32 $0x1B8E;
	s24 =	sld [smem:$0x3FFE];
	[sflag:s23] =	ssyncadd.s32 $0xFFFFFFFF  }
0xa5: {  	s26 =	simm.s32 $execute0_lowered;
	[smem:$0x3FD2] =	sst s25  }
0xa6: {  	s4 =	sshll.u32 s26, $0x1;
	_ =	strace $0x8000004F;
	[dreg:$0x1] =	wrdreg $0xFFFFFFFF  }
0xa7: {  	s28 =	simm.s32 $_size_execute0_lowered;
	s2 =	sadd.s32 s2, s4;
	[dreg:$0x0] =	wrdreg $0x0  }
0xa8: {  	s4 =	sshll.u32 s28, $0x1;
	[dreg:$0x2] =	wrdreg s2  }
0xa9: {  	[dreg:$0x3] =	wrdreg s4  }
0xaa: {  	[dreg:$0x4] =	wrdreg $0xC0  }
0xab: {  	_ =	task [dreg:s6], $0x5FFFF  }
0xac: {  	[dreg:$0x1] =	wrdreg $0xFFFFFFFF  }
0xad: {  	[dreg:$0x0] =	wrdreg $0x60  }
0xae: {  	[dreg:$0x2] =	wrdreg s24  }
0xaf: {  	[dreg:$0x3] =	wrdreg $0x4A000  }
0xb0: {  	[dreg:$0x4] =	wrdreg $0x9  }
0xb1: {  	_ =	task.clear_ibuf [dreg:s6], $0x5FFFF;
	_ =	strace $0x9000004F  }
0xb2: {  	s29 =	simm.s32 $0x9;
	_ =	strace $0x80000051  }
0xb3: {  	_ =	swait.ge [sflag:s29], $0x1  }
0xb4: {  	[sflag:s29] =	ssyncadd.s32 $0xFFFFFFFF  }
0xb5: {  	_ =	strace $0x90000051  }
0xb6: {  	_ =	sfence  }
0xb7: {  	s30 =	sld [smem:$0x0];
	_ =	sdelay $0x2  }
0xb8: {  	s31 =	sshll.u32 s1, $0xD;
	s1 =	sshrl.u32 s1, $0x2  }
0xb9: {  	s3 =	sand.u32 $0x4000, s31;
	s1 =	sadd.s32 s1, s30  }
0xba: {  	s0 =	sor.u32 s3, s0;
	s1 =	sshll.u32 s1, $0x11  }
0xbb: {  	s0 =	sor.u32 s1, s0  }
0xbc: {  	s0 =	sadd.s32 $0x8F2B, s0  }
0xbd: {  	[sflag:s0] =	ssyncadd.remote.s32 $0x1  }
0xbe: {  	_ =	sfence.sel $0xFFFF  }
0xbf: {  	[dreg:$0x0] =	wrdreg $0xFFFFFFFF;
	(pc) =	sbr.abs _section_cstart, $3  }
0xc0: {  	[dreg:$0x1] =	wrdreg $0xFFFFFFFF  }
0xc1: {  	_ =	task.clear_ibuf [dreg:s6], $0x2FFFF;
	_ =	strace $0x9FFFFFFF  }
0xc2: {  	(tm) =	ssettm $0x7FFFFFFF  }
0xc3: {  	_ =	shalt  }
tec
execute0_lowered:
.L_overlay_start_1:
0x0: {  	(tag) =	ssettag $0x1  }
0x1: {  	s6 =	rddreg [dreg:$0x0]  }
0x2: {  	s1 =	rddreg [dreg:$0x1];
	s2 =	srdreg.scid  }
0x3: {  	s0 =	rddreg [dreg:$0x2];
	s3 =	simm.s32 $0x0;
	s16 =	simm.s32 $0x200  }
0x4: {  	s17 =	simm.s32 $0x1;
	s18 =	simm.s32 $0x100;
	s19 =	simm.s32 $0x180  }
0x5: {  	s20 =	simm.s32 $0x10;
	s21 =	simm.s32 $0x4200;
	s7 =	sand.u32 $0x1, s2  }
0x6: {  	s22 =	simm.s32 $0x0;
	s2 =	stileid.u32;
	s5 =	smul.u32 $0x140000, s7  }
0x7: {  	[smem:$0x7FF] =	sst s3;
	s4 =	sadd.s32 $0x16C00, s6;
	s8 =	smul.u32 $0x14000, s2  }
0x8: {  	s12 =	sadd.s32 $0x3000, s6;
	s11 =	sadd.s32 $0xCE00, s6;
	s13 =	smul.u32 $0x50000, s2  }
0x9: {  	_ =	strace $0x80000050;
	s9 =	sshll.u32 s7, $0x4;
	s29 =	smul.u32 $0x27100, s7  }
0xa: {  	s10 =	ssub.s32 $0x2, s7;
	s30 =	sshll.u32 s2, $0x6;
	s31 =	smul.u32 $0x2710, s2  }
0xb: {  	s9 =	sor.u32 s2, s9;
	s25 =	sshrl.u32 s10, $0x1;
	s8 =	sadd.s32 s8, s5  }
0xc: {  	s5 =	sadd.s32 $0x3DE00, s6;
	s26 =	smul.u32 $0x2710, s9;
	s10 =	ssub.s32 s10, s25  }
0xd: {  	s28 =	sshrl.u32 s13, $0x2;
	s13 =	sadd.s32 s31, s29;
	s8 =	sshrl.u32 s8, $0x3  }
0xe: {  	s15 =	sadd.s32 s28, s1;
	s10 =	smax.u32 s10, $0x1;
	s13 =	sshrl.u32 s13, $0x3  }
0xf: {  	s14 =	sadd.s32 s8, s6;
	s8 =	sshrl.u32 s26, $0x3;
	s6 =	sor.u32 $0x1C02, s30  }
0x10: {  	s8 =	sadd.s32 $0x4E0, s8;
	s9 =	sadd.s32 $0x40600, s14;
	s14 =	simm.s32 $0x2  }
0x11: {  	s7 =	sadd.s32 s12, s8;
	s8 =	sadd.s32 s11, s8;
	s11 =	sadd.s32 s13, s11  }
0x12: {  	s12 =	sadd.s32 s13, s12;
	s13 =	sshrl.u32 s15, $0x3;
	s15 =	simm.s32 $0x80  }
.LBB2_1:
0x13: {  	[spmem:s13], [sflag:s6] =	dma.local [hbm:s5], $0x2800  }
0x14: {  	_ =	swait.ge [sflag:s14], $0x2800  }
0x15: {  	[sflag:s14] =	ssyncset.done $0x0  }
0x16: {  	[sflag:s14] =	ssyncadd.s32 $0xFFFFD800  }
0x17: {  	s23 =	sadd.s32 $0x0, s12;
	[bflag:$0x0] =	sbarrier.arrive $0xFFFF  }
0x18: {  	[tilespmem:s3], [sflag:$0x2] =	stream.linear.gather [hbm4b:s23+s3], $0x80, $0x38;
	[tilespmem:$0x18A00] =	vst v63  }
0x19: {  	_ =	swait.ge [sflag:s14], $0x80  }
0x1a: {  	[sflag:s14] =	ssyncset.done $0x0  }
0x1b: {  	s31 =	sadd.s32 $0x0, s11;
	[sflag:s14] =	ssyncadd.s32 $0xFFFFFF80  }
0x1c: {  	[tilespmem:s15], [sflag:$0x2] =	stream.linear.gather [hbm4b:s31+s3], $0x80, $0x38;
	[tilespmem:$0x18A00] =	vst v63  }
0x1d: {  	_ =	swait.ge [sflag:s14], $0x80  }
0x1e: {  	[sflag:s14] =	ssyncset.done $0x0  }
0x1f: {  	[sflag:s14] =	ssyncadd.s32 $0xFFFFFF80  }
0x20: {  	[tilespmem:s16], [sflag:$0x1] =	stream.indirect.gather [hbm4b:s4+s15], $0x80, s3, s15, $0xb8;
	[tilespmem:$0x18A00] =	vst v63  }
0x21: {  	_ =	swait.ge [sflag:s17], $0x4000  }
0x22: {  	[sflag:s17] =	ssyncset.done $0x0  }
0x23: {  	[sflag:s17] =	ssyncadd.s32 $0xFFFFC000  }
0x24: {  	[spmem:s1] =	stream.indirect.scatter.add.f32 [tilespmem:s16], [sflag:$0x2], $0x80, s15, s15, $0xb8;
	[tilespmem:$0x18A00] =	vst v63  }
0x25: {  	_ =	swait.ge [sflag:s14], $0x4000  }
0x26: {  	s24 =	simm.s32 $0x20;
	s23 =	simm.s32 $0x10;
	[sflag:s14] =	ssyncset.done $0x0  }
.LBB2_2:
0x27: {  	s25 =	sadd.s32 s23, s12  }
0x28: {  	[sflag:s14] =	ssyncadd.s32 $0xFFFFC000;
	s26 =	smov.u32 s24;
	s28 =	sadd.s32 $0x10, s24  }
0x29: {  	[tilespmem:s3], [sflag:$0x2] =	stream.linear.gather [hbm4b:s25+s3], $0x80, $0x38;
	[tilespmem:$0x18A00] =	vst v63  }
0x2a: {  	p0 =	sne.s32 s24, $0x4D0;
	_ =	swait.ge [sflag:s14], $0x80  }
0x2b: {  	[sflag:s14] =	ssyncset.done $0x0  }
0x2c: {  	s24 =	sadd.s32 s23, s11;
	s23 =	smov.u32 s26;
	[sflag:s14] =	ssyncadd.s32 $0xFFFFFF80  }
0x2d: {  	[tilespmem:s15], [sflag:$0x2] =	stream.linear.gather [hbm4b:s24+s3], $0x80, $0x38;
	[tilespmem:$0x18A00] =	vst v63  }
0x2e: {  	_ =	swait.ge [sflag:s14], $0x80  }
0x2f: {  	[sflag:s14] =	ssyncset.done $0x0  }
0x30: {  	[sflag:s14] =	ssyncadd.s32 $0xFFFFFF80  }
0x31: {  	[tilespmem:s16], [sflag:$0x1] =	stream.indirect.gather [hbm4b:s4+s15], $0x80, s3, s15, $0xb8;
	[tilespmem:$0x18A00] =	vst v63  }
0x32: {  	_ =	swait.ge [sflag:s17], $0x4000  }
.Ltmp0:
0x33: {  	[sflag:s17] =	ssyncset.done $0x0;
	(pc) =	sbr.rel @p0 .LBB2_2-.Ltmp0, $4  }
0x34: {  	[sflag:s17] =	ssyncadd.s32 $0xFFFFC000  }
0x35: {  	[spmem:s1] =	stream.indirect.scatter.add.f32 [tilespmem:s16], [sflag:$0x2], $0x80, s15, s15, $0xb8;
	[tilespmem:$0x18A00] =	vst v63  }
0x36: {  	_ =	swait.ge [sflag:s14], $0x4000  }
0x37: {  	s24 =	smov.u32 s28;
	[sflag:s14] =	ssyncset.done $0x0  }
0x38: {  	s24 =	sadd.s32 s23, s12;
	[sflag:s14] =	ssyncadd.s32 $0xFFFFC000  }
0x39: {  	[tilespmem:s3], [sflag:$0x2] =	stream.linear.gather [hbm4b:s24+s3], $0x80, $0x38;
	[tilespmem:$0x18A00] =	vst v63  }
0x3a: {  	_ =	swait.ge [sflag:s14], $0x80  }
0x3b: {  	[sflag:s14] =	ssyncset.done $0x0  }
0x3c: {  	s31 =	sadd.s32 s23, s11;
	[sflag:s14] =	ssyncadd.s32 $0xFFFFFF80  }
0x3d: {  	[tilespmem:s15], [sflag:$0x2] =	stream.linear.gather [hbm4b:s31+s3], $0x80, $0x38;
	[tilespmem:$0x18A00] =	vst v63  }
0x3e: {  	_ =	swait.ge [sflag:s14], $0x80  }
0x3f: {  	[sflag:s14] =	ssyncset.done $0x0  }
0x40: {  	[sflag:s14] =	ssyncadd.s32 $0xFFFFFF80  }
0x41: {  	[tilespmem:s16], [sflag:$0x1] =	stream.indirect.gather [hbm4b:s4+s15], $0x80, s3, s15, $0xb8;
	[tilespmem:$0x18A00] =	vst v63  }
0x42: {  	_ =	swait.ge [sflag:s17], $0x4000  }
0x43: {  	[sflag:s17] =	ssyncset.done $0x0  }
0x44: {  	[sflag:s17] =	ssyncadd.s32 $0xFFFFC000  }
0x45: {  	[spmem:s1] =	stream.indirect.scatter.add.f32 [tilespmem:s16], [sflag:$0x2], $0x80, s15, s15, $0xb8;
	[tilespmem:$0x18A00] =	vst v63  }
0x46: {  	_ =	swait.ge [sflag:s14], $0x4000  }
0x47: {  	[sflag:s14] =	ssyncset.done $0x0  }
0x48: {  	[sflag:s14] =	ssyncadd.s32 $0xFFFFC000  }
0x49: {  	[tilespmem:s18], [sflag:$0x2] =	stream.linear.gather [hbm4b:s7+s3], $0x10, $0x38;
	[tilespmem:$0x18A00] =	vst v63  }
0x4a: {  	_ =	swait.ge [sflag:s14], $0x10  }
0x4b: {  	[sflag:s14] =	ssyncset.done $0x0  }
0x4c: {  	[sflag:s14] =	ssyncadd.s32 $0xFFFFFFF0  }
0x4d: {  	[tilespmem:s19], [sflag:$0x2] =	stream.linear.gather [hbm4b:s8+s3], $0x10, $0x38;
	[tilespmem:$0x18A00] =	vst v63  }
0x4e: {  	_ =	swait.ge [sflag:s14], $0x10  }
0x4f: {  	[sflag:s14] =	ssyncset.done $0x0  }
0x50: {  	[sflag:s14] =	ssyncadd.s32 $0xFFFFFFF0  }
0x51: {  	[tilespmem:s21], [sflag:$0x1] =	stream.indirect.gather [hbm4b:s4+s20], $0x80, s18, s20, $0xb8;
	[tilespmem:$0x18A00] =	vst v63  }
0x52: {  	_ =	swait.ge [sflag:s17], $0x800  }
0x53: {  	[sflag:s17] =	ssyncset.done $0x0  }
0x54: {  	[sflag:s17] =	ssyncadd.s32 $0xFFFFF800  }
0x55: {  	[spmem:s1] =	stream.indirect.scatter.add.f32 [tilespmem:s21], [sflag:$0x2], $0x80, s19, s20, $0xb8;
	[tilespmem:$0x18A00] =	vst v63  }
0x56: {  	_ =	swait.ge [sflag:s14], $0x800  }
0x57: {  	s22 =	sadd.s32 $0x1, s22;
	[sflag:s14] =	ssyncset.done $0x0  }
0x58: {  	p0 =	sne.s32 s22, s10;
	[sflag:s14] =	ssyncadd.s32 $0xFFFFF800  }
.Ltmp1:
0x59: {  	[bflag:$0x0] =	sbarrier.arrive $0xFFFF;
	(pc) =	sbr.rel @p0 .LBB2_1-.Ltmp1, $4  }
0x5a: {  	[hbm:s9], [sflag:s6] =	dma.local [spmem:s13], $0x2800  }
0x5b: {  	_ =	swait.ge [sflag:s14], $0x2800  }
0x5c: {  	[sflag:s14] =	ssyncset.done $0x0  }
0x5d: {  	[sflag:s14] =	ssyncadd.s32 $0xFFFFD800  }
0x5e: {  	_ =	sfence.sel $0x180000  }
0x5f: {  	[bflag:$0x0] =	sbarrier.arrive $0xFFFF  }
0x60: {  	p0 =	sne.s32 s2, $0x0;
	_ =	strace $0x90000050  }
0x61: {  	s0 =	sadd.s32 @!p0 $0x100000, s0;
	[bflag:$0x2] =	sbarrier.arrive $0xFFFF  }
0x62: {  	[sflag:s0] =	ssyncadd.tile.s32 @!p0 $0x1;
	_ =	shalt  }
.Lfunc_end2:
_tile_overlayer_lowered:
.L_overlay_start_2:
0x63: {  	(tag) =	ssettag $0x2  }
0x64: {  	s0 =	rddreg [dreg:$0x0];
	s2 =	stileid.u32  }
0x65: {  	s1 =	rddreg [dreg:$0x1];
	p0 =	sne.s32 s2, $0x0  }
0x66: {  	s3 =	rddreg [dreg:$0x2];
	[bflag:$0x3] =	sbarrier.arrive $0xFFFF;
	s2 =	simm.s32 @!p0 $0x1C02  }
0x67: {  	[timem:s3], [sflag:s2] =	dma.local @!p0 [hbm:s0], s1  }
0x68: {  	s0 =	simm.s32 @!p0 $0x2  }
0x69: {  	_ =	swait.ge @!p0 [sflag:s0], s1  }
0x6a: {  	s1 =	ssub.s32 @!p0 $0x0, s1;
	[sflag:s0] =	ssyncset.done @!p0 $0x0  }
0x6b: {  	[sflag:s0] =	ssyncadd.s32 @!p0 s1  }
0x6c: {  	[bflag:$0x3] =	sbarrier.arrive $0xFFFF  }
0x6d: {  	_ =	shalt  }

</sc_bundles>
